<compile_context>
chip_gen: v7x
topology: tpu7x:2x2x1
jax: 0.10.2.dev20260603
libtpu: 0.0.44.dev20260713+nightly
codegen_flags: <defaults>
</compile_context>

<pallas_src>
import functools

import jax
import jax.numpy as jnp
from jax import lax
from jax.experimental import pallas as pl
from jax.experimental.pallas import tpu as pltpu
from jax.experimental.pallas import tpu_sc as plsc

_HI = jax.lax.Precision.HIGHEST
_SEG = 224


def _topk_kernel(x_ref, e_ref, i1_ref, i2_ref):
    e = e_ref[...]
    en2 = jnp.sum(e * e, axis=0, keepdims=True)
    B = x_ref.shape[0]
    N = x_ref.shape[2]
    K = e.shape[1]
    for b in range(B):
        xb = x_ref[b]
        prod = lax.dot_general(
            xb, e, (((0,), (0,)), ((), ())),
            preferred_element_type=jnp.float32, precision=_HI)
        scores = en2 - 2.0 * prod
        kiota = lax.broadcasted_iota(jnp.int32, (N, K), 1)
        i1 = jnp.argmin(scores, axis=-1).astype(jnp.int32)
        masked = jnp.where(kiota == i1[:, None], jnp.inf, scores)
        i2 = jnp.argmin(masked, axis=-1).astype(jnp.int32)
        i1_ref[b] = i1
        i2_ref[b] = i2


def _refine_kernel(x_ref, g_ref, i1_ref, i2_ref, out_ref, idx_ref):
    B = x_ref.shape[0]
    N = x_ref.shape[2]
    for b in range(B):
        xb = x_ref[b]
        D = xb.shape[0]
        g1 = g_ref[b].T[:D, :N]
        g2 = g_ref[B + b].T[:D, :N]
        d1 = jnp.sqrt(_exact_d2(xb, g1))
        d2 = jnp.sqrt(_exact_d2(xb, g2))
        i1r = i1_ref[b][None, :]
        i2r = i2_ref[b][None, :]
        swap = (d2 < d1) | ((d2 == d1) & (i2r < i1r))
        idx_ref[b] = jnp.where(swap, i2r, i1r)[0]
        out_ref[b] = jnp.where(swap, g2, g1)


def _exact_d2(xb, g):
    diff = xb - g
    t = diff * diff
    p = t[0:8, :]
    for gi in range(1, 8):
        p = p + t[8 * gi:8 * gi + 8, :]
    a0 = p[0:1, :] + p[4:5, :]
    a2 = p[2:3, :] + p[6:7, :]
    a1 = p[1:2, :] + p[5:6, :]
    a3 = p[3:4, :] + p[7:8, :]
    return (a0 + a2) + (a1 + a3)


def _make_sc_gather(n_rows, d):
    info = plsc.get_sparse_core_info()
    nw = info.num_cores * info.num_subcores
    rows_per_w = n_rows // nw
    mesh = plsc.VectorSubcoreMesh(core_axis_name="c", subcore_axis_name="s")

    @functools.partial(
        pl.kernel, mesh=mesh,
        out_type=jax.ShapeDtypeStruct((n_rows, d), jnp.float32),
        scratch_types=[
            pltpu.VMEM((rows_per_w,), jnp.int32),
            pltpu.VMEM((rows_per_w, d), jnp.float32),
            pltpu.SemaphoreType.DMA,
        ],
    )
    def sc_gather(table_hbm, idx_hbm, out_hbm, idx_v, rows_v, sem):
        wid = lax.axis_index("s") * info.num_cores + lax.axis_index("c")
        base = wid * rows_per_w
        pltpu.sync_copy(idx_hbm.at[pl.ds(base, rows_per_w)], idx_v)
        pltpu.async_copy(table_hbm.at[idx_v], rows_v, sem).wait()
        pltpu.sync_copy(rows_v, out_hbm.at[pl.ds(base, rows_per_w)])

    return sc_gather


def kernel(feature_vectors, embeddings):
    B, D, N = feature_vectors.shape
    K = embeddings.shape[1]

    i1, i2 = pl.pallas_call(
        _topk_kernel,
        out_shape=(
            jax.ShapeDtypeStruct((B, N), jnp.int32),
            jax.ShapeDtypeStruct((B, N), jnp.int32),
        ),
    )(feature_vectors, embeddings)

    idx_pad = jnp.zeros((2 * B, _SEG), jnp.int32)
    idx_pad = idx_pad.at[:B, :N].set(i1).at[B:, :N].set(i2)
    n_rows = 2 * B * _SEG

    et = jnp.zeros((K, 128), jnp.float32).at[:, :D].set(embeddings.T)
    gathered = _make_sc_gather(n_rows, 128)(et, idx_pad.reshape(n_rows))
    gathered = gathered.reshape(2 * B, _SEG, 128)

    out, idx = pl.pallas_call(
        _refine_kernel,
        out_shape=(
            jax.ShapeDtypeStruct((B, D, N), jnp.float32),
            jax.ShapeDtypeStruct((B, N), jnp.int32),
        ),
    )(feature_vectors, gathered, i1, i2)
    return out, idx

# --- scband reference (transcript-rebuilt; emitter-appended) ---
"""Pipeline reference for scband-embedding-matcher-19129784336901 (READ-ONLY COPY).

The authoritative reference and input builder live on the scoring server;
editing this copy changes nothing except your own understanding.
"""

import jax, jax.numpy as jnp
import numpy as np


def setup_inputs(seed: int = 0) -> dict:
    key = jax.random.key(seed)
    k1, k2 = jax.random.split(key)
    feature_vectors = jax.random.normal(k1, (4, 64, 196), dtype=jnp.float32)
    # learned parameter: embeddings is [embedding_size, num_embeddings] = [64, 1024]
    embeddings = jax.random.normal(k2, (64, 1024), dtype=jnp.float32)
    return {"feature_vectors": feature_vectors, "embeddings": embeddings}


def reference(feature_vectors, embeddings):
    # Faithful translation of EmbeddingMatcherFunction.forward
    inputs = feature_vectors  # [B, D, N]
    if inputs.shape[1] != embeddings.shape[0]:
        raise RuntimeError('input feature size must match embeddings size')
    expanded_inputs = inputs[..., None]             # [B, D, N, 1]
    expanded_embeddings = embeddings[:, None, :]    # [D, 1, K]
    diff = expanded_inputs - expanded_embeddings    # [B, D, N, K] (broadcast)
    distances = jnp.sqrt(jnp.sum(diff * diff, axis=1))  # L2 norm over dim 1 -> [B, N, K]
    closest_indices = jnp.argmin(distances, axis=-1)    # [B, N]
    B, D, N = inputs.shape
    # embeddings.t().index_select(0, idx).view(B, N, D).permute(0, 2, 1)
    closest = jnp.take(embeddings.T, closest_indices.reshape(-1), axis=0)  # [B*N, D]
    closest = closest.reshape(B, N, D)
    closest = jnp.transpose(closest, (0, 2, 1))  # [B, D, N]
    return closest, closest_indices

if __name__ == "__main__":
    import jax
    _d = setup_inputs()
    print(jax.jit(kernel)(*tuple(_d.values())))

</pallas_src>

<mosaic_0001>
#map = affine_map<(d0, d1) -> (0, 0)>
#map1 = affine_map<(d0, d1) -> (0)>
module attributes {stable_mosaic.version = 14 : i64} {
  func.func @sc_gather(%arg0: i32, %arg1: i32, %arg2: memref<1024x128xf32, #tpu.memory_space<hbm>>, %arg3: memref<1792xi32, #tpu.memory_space<hbm>>, %arg4: memref<1792x128xf32, #tpu.memory_space<hbm>>, %arg5: memref<56xi32, #tpu.memory_space<vmem>>, %arg6: memref<56x128xf32, #tpu.memory_space<vmem>>, %arg7: memref<!tpu.dma_semaphore, #tpu.memory_space<semaphore_mem>>) attributes {dimension_semantics = [#tpu.dimension_semantics<core_parallel>, #tpu.dimension_semantics<subcore_parallel>], iteration_bounds = array<i64: 2, 16>, scalar_prefetch = 0 : i64, scratch_operands = 3 : i64, tpu.core_type = #tpu.core_type<sc_vector_subcore>, window_params = [{transform_indices = #map}, {transform_indices = #map1}, {transform_indices = #map}]} {
    %mul3A = arith.constant 2 : i32
    %mul3A_0 = arith.muli %arg1, %mul3A : i32
    %add3A = arith.addi %mul3A_0, %arg0 : i32
    %mul3A_1 = arith.constant 56 : i32
    %mul3A_2 = arith.muli %add3A, %mul3A_1 : i32
    "tpu.region"() ({
      %run_scoped3A = tpu.sem_alloc : memref<!tpu.dma_semaphore, #tpu.memory_space<semaphore_mem>>
      %dma_start3A_7 = tpu.memref_slice %arg3[%mul3A_2] : memref<1792xi32, #tpu.memory_space<hbm>> -> memref<56xi32, #tpu.memory_space<hbm>>
      %dma_start3A_8 = tpu.memref_slice %arg3[%mul3A_2] : memref<1792xi32, #tpu.memory_space<hbm>> -> memref<56xi32, #tpu.memory_space<hbm>>
      tpu.enqueue_dma source(%dma_start3A_8 : memref<56xi32, #tpu.memory_space<hbm>>) target(%arg5 : memref<56xi32, #tpu.memory_space<vmem>>) target_semaphore(%run_scoped3A : memref<!tpu.dma_semaphore, #tpu.memory_space<semaphore_mem>>)
      %dma_wait3A_9 = tpu.memref_slice %arg3[%mul3A_2] : memref<1792xi32, #tpu.memory_space<hbm>> -> memref<56xi32, #tpu.memory_space<hbm>>
      %dma_wait3A_10 = tpu.memref_slice %arg3[%mul3A_2] : memref<1792xi32, #tpu.memory_space<hbm>> -> memref<56xi32, #tpu.memory_space<hbm>>
      tpu.wait_dma2 semaphore(%run_scoped3A : memref<!tpu.dma_semaphore, #tpu.memory_space<semaphore_mem>>) src(%dma_wait3A_10 : memref<56xi32, #tpu.memory_space<hbm>>) dst(%arg5 : memref<56xi32, #tpu.memory_space<vmem>>)
      tpu.yield
    }) : () -> ()
    %dma_start3A = arith.constant 0 : i32
    %dma_start3A_3 = arith.constant 0 : i32
    %dma_start3A_4 = tpu.memref_slice %arg2[%dma_start3A, %dma_start3A_3] : memref<1024x128xf32, #tpu.memory_space<hbm>> -> memref<1024x128xf32, #tpu.memory_space<hbm>>
    tpu.enqueue_indirect_dma source(%dma_start3A_4 : memref<1024x128xf32, #tpu.memory_space<hbm>>) target(%arg6 : memref<56x128xf32, #tpu.memory_space<vmem>>) offsets(%arg5 : memref<56xi32, #tpu.memory_space<vmem>>) semaphore(%arg7 : memref<!tpu.dma_semaphore, #tpu.memory_space<semaphore_mem>>)
    %dma_wait3A = arith.constant 0 : i32
    %dma_wait3A_5 = arith.constant 0 : i32
    %dma_wait3A_6 = tpu.memref_slice %arg2[%dma_wait3A, %dma_wait3A_5] : memref<1024x128xf32, #tpu.memory_space<hbm>> -> memref<1024x128xf32, #tpu.memory_space<hbm>>
    tpu.wait_indirect_dma semaphore(%arg7 : memref<!tpu.dma_semaphore, #tpu.memory_space<semaphore_mem>>) src(%dma_wait3A_6 : memref<1024x128xf32, #tpu.memory_space<hbm>>) dst(%arg6 : memref<56x128xf32, #tpu.memory_space<vmem>>)
    "tpu.region"() ({
      %run_scoped3A = tpu.sem_alloc : memref<!tpu.dma_semaphore, #tpu.memory_space<semaphore_mem>>
      %dma_start3A_7 = arith.constant 0 : i32
      %dma_start3A_8 = tpu.memref_slice %arg4[%mul3A_2, %dma_start3A_7] : memref<1792x128xf32, #tpu.memory_space<hbm>> -> memref<56x128xf32, #tpu.memory_space<hbm>>
      %dma_start3A_9 = arith.constant 0 : i32
      %dma_start3A_10 = tpu.memref_slice %arg4[%mul3A_2, %dma_start3A_9] : memref<1792x128xf32, #tpu.memory_space<hbm>> -> memref<56x128xf32, #tpu.memory_space<hbm>>
      tpu.enqueue_dma source(%arg6 : memref<56x128xf32, #tpu.memory_space<vmem>>) target(%dma_start3A_10 : memref<56x128xf32, #tpu.memory_space<hbm>>) target_semaphore(%run_scoped3A : memref<!tpu.dma_semaphore, #tpu.memory_space<semaphore_mem>>)
      %dma_wait3A_11 = arith.constant 0 : i32
      %dma_wait3A_12 = tpu.memref_slice %arg4[%mul3A_2, %dma_wait3A_11] : memref<1792x128xf32, #tpu.memory_space<hbm>> -> memref<56x128xf32, #tpu.memory_space<hbm>>
      %dma_wait3A_13 = arith.constant 0 : i32
      %dma_wait3A_14 = tpu.memref_slice %arg4[%mul3A_2, %dma_wait3A_13] : memref<1792x128xf32, #tpu.memory_space<hbm>> -> memref<56x128xf32, #tpu.memory_space<hbm>>
      tpu.wait_dma2 semaphore(%run_scoped3A : memref<!tpu.dma_semaphore, #tpu.memory_space<semaphore_mem>>) src(%arg6 : memref<56x128xf32, #tpu.memory_space<vmem>>) dst(%dma_wait3A_14 : memref<56x128xf32, #tpu.memory_space<hbm>>)
      tpu.yield
    }) : () -> ()
    return
  }
}

module attributes {stable_mosaic.version = 14 : i64} {
  func.func @_refine_kernel(%arg0: memref<4x64x196xf32, #tpu.memory_space<vmem>>, %arg1: memref<8x224x128xf32, #tpu.memory_space<vmem>>, %arg2: memref<4x196xi32, #tpu.memory_space<vmem>>, %arg3: memref<4x196xi32, #tpu.memory_space<vmem>>, %arg4: memref<4x64x196xf32, #tpu.memory_space<vmem>>, %arg5: memref<4x196xi32, #tpu.memory_space<vmem>>) attributes {dimension_semantics = [], scalar_prefetch = 0 : i64, scratch_operands = 0 : i64, tpu.core_type = #tpu.core_type<tc>} {
    %get3A = arith.constant 0 : index
    %get3A_0 = arith.constant 0 : index
    %get3A_1 = arith.constant 0 : index
    %get3A_2 = vector.load %arg0[%get3A, %get3A_0, %get3A_1] : memref<4x64x196xf32, #tpu.memory_space<vmem>>, vector<1x64x196xf32>
    %get3A_3 = vector.shape_cast %get3A_2 : vector<1x64x196xf32> to vector<64x196xf32>
    %get3A_4 = arith.constant 0 : index
    %get3A_5 = arith.constant 0 : index
    %get3A_6 = arith.constant 0 : index
    %get3A_7 = vector.load %arg1[%get3A_4, %get3A_5, %get3A_6] : memref<8x224x128xf32, #tpu.memory_space<vmem>>, vector<1x224x128xf32>
    %get3A_8 = vector.shape_cast %get3A_7 : vector<1x224x128xf32> to vector<224x128xf32>
    %transpose3A = tpu.transpose %get3A_8, [1, 0] : vector<224x128xf32> -> vector<128x224xf32>
    %slice3A = vector.extract_strided_slice %transpose3A {offsets = [0, 0], sizes = [64, 196], strides = [1, 1]} : vector<128x224xf32> to vector<64x196xf32>
    %get3A_9 = arith.constant 4 : index
    %get3A_10 = arith.constant 0 : index
    %get3A_11 = arith.constant 0 : index
    %get3A_12 = vector.load %arg1[%get3A_9, %get3A_10, %get3A_11] : memref<8x224x128xf32, #tpu.memory_space<vmem>>, vector<1x224x128xf32>
    %get3A_13 = vector.shape_cast %get3A_12 : vector<1x224x128xf32> to vector<224x128xf32>
    %transpose3A_14 = tpu.transpose %get3A_13, [1, 0] : vector<224x128xf32> -> vector<128x224xf32>
    %slice3A_15 = vector.extract_strided_slice %transpose3A_14 {offsets = [0, 0], sizes = [64, 196], strides = [1, 1]} : vector<128x224xf32> to vector<64x196xf32>
    %sub3A = arith.subf %get3A_3, %slice3A : vector<64x196xf32>
    %mul3A = arith.mulf %sub3A, %sub3A : vector<64x196xf32>
    %slice3A_16 = vector.extract_strided_slice %mul3A {offsets = [0, 0], sizes = [8, 196], strides = [1, 1]} : vector<64x196xf32> to vector<8x196xf32>
    %slice3A_17 = vector.extract_strided_slice %mul3A {offsets = [8, 0], sizes = [8, 196], strides = [1, 1]} : vector<64x196xf32> to vector<8x196xf32>
    %add3A = arith.addf %slice3A_16, %slice3A_17 : vector<8x196xf32>
    %slice3A_18 = vector.extract_strided_slice %mul3A {offsets = [16, 0], sizes = [8, 196], strides = [1, 1]} : vector<64x196xf32> to vector<8x196xf32>
    %add3A_19 = arith.addf %add3A, %slice3A_18 : vector<8x196xf32>
    %slice3A_20 = vector.extract_strided_slice %mul3A {offsets = [24, 0], sizes = [8, 196], strides = [1, 1]} : vector<64x196xf32> to vector<8x196xf32>
    %add3A_21 = arith.addf %add3A_19, %slice3A_20 : vector<8x196xf32>
    %slice3A_22 = vector.extract_strided_slice %mul3A {offsets = [32, 0], sizes = [8, 196], strides = [1, 1]} : vector<64x196xf32> to vector<8x196xf32>
    %add3A_23 = arith.addf %add3A_21, %slice3A_22 : vector<8x196xf32>
    %slice3A_24 = vector.extract_strided_slice %mul3A {offsets = [40, 0], sizes = [8, 196], strides = [1, 1]} : vector<64x196xf32> to vector<8x196xf32>
    %add3A_25 = arith.addf %add3A_23, %slice3A_24 : vector<8x196xf32>
    %slice3A_26 = vector.extract_strided_slice %mul3A {offsets = [48, 0], sizes = [8, 196], strides = [1, 1]} : vector<64x196xf32> to vector<8x196xf32>
    %add3A_27 = arith.addf %add3A_25, %slice3A_26 : vector<8x196xf32>
    %slice3A_28 = vector.extract_strided_slice %mul3A {offsets = [56, 0], sizes = [8, 196], strides = [1, 1]} : vector<64x196xf32> to vector<8x196xf32>
    %add3A_29 = arith.addf %add3A_27, %slice3A_28 : vector<8x196xf32>
    %slice3A_30 = vector.extract_strided_slice %add3A_29 {offsets = [0, 0], sizes = [1, 196], strides = [1, 1]} : vector<8x196xf32> to vector<1x196xf32>
    %slice3A_31 = vector.extract_strided_slice %add3A_29 {offsets = [4, 0], sizes = [1, 196], strides = [1, 1]} : vector<8x196xf32> to vector<1x196xf32>
    %add3A_32 = arith.addf %slice3A_30, %slice3A_31 : vector<1x196xf32>
    %slice3A_33 = vector.extract_strided_slice %add3A_29 {offsets = [2, 0], sizes = [1, 196], strides = [1, 1]} : vector<8x196xf32> to vector<1x196xf32>
    %slice3A_34 = vector.extract_strided_slice %add3A_29 {offsets = [6, 0], sizes = [1, 196], strides = [1, 1]} : vector<8x196xf32> to vector<1x196xf32>
    %add3A_35 = arith.addf %slice3A_33, %slice3A_34 : vector<1x196xf32>
    %slice3A_36 = vector.extract_strided_slice %add3A_29 {offsets = [1, 0], sizes = [1, 196], strides = [1, 1]} : vector<8x196xf32> to vector<1x196xf32>
    %slice3A_37 = vector.extract_strided_slice %add3A_29 {offsets = [5, 0], sizes = [1, 196], strides = [1, 1]} : vector<8x196xf32> to vector<1x196xf32>
    %add3A_38 = arith.addf %slice3A_36, %slice3A_37 : vector<1x196xf32>
    %slice3A_39 = vector.extract_strided_slice %add3A_29 {offsets = [3, 0], sizes = [1, 196], strides = [1, 1]} : vector<8x196xf32> to vector<1x196xf32>
    %slice3A_40 = vector.extract_strided_slice %add3A_29 {offsets = [7, 0], sizes = [1, 196], strides = [1, 1]} : vector<8x196xf32> to vector<1x196xf32>
    %add3A_41 = arith.addf %slice3A_39, %slice3A_40 : vector<1x196xf32>
    %add3A_42 = arith.addf %add3A_32, %add3A_35 : vector<1x196xf32>
    %add3A_43 = arith.addf %add3A_38, %add3A_41 : vector<1x196xf32>
    %add3A_44 = arith.addf %add3A_42, %add3A_43 : vector<1x196xf32>
    %sqrt3A = math.sqrt %add3A_44 : vector<1x196xf32>
    %sub3A_45 = arith.subf %get3A_3, %slice3A_15 : vector<64x196xf32>
    %mul3A_46 = arith.mulf %sub3A_45, %sub3A_45 : vector<64x196xf32>
    %slice3A_47 = vector.extract_strided_slice %mul3A_46 {offsets = [0, 0], sizes = [8, 196], strides = [1, 1]} : vector<64x196xf32> to vector<8x196xf32>
    %slice3A_48 = vector.extract_strided_slice %mul3A_46 {offsets = [8, 0], sizes = [8, 196], strides = [1, 1]} : vector<64x196xf32> to vector<8x196xf32>
    %add3A_49 = arith.addf %slice3A_47, %slice3A_48 : vector<8x196xf32>
    %slice3A_50 = vector.extract_strided_slice %mul3A_46 {offsets = [16, 0], sizes = [8, 196], strides = [1, 1]} : vector<64x196xf32> to vector<8x196xf32>
    %add3A_51 = arith.addf %add3A_49, %slice3A_50 : vector<8x196xf32>
    %slice3A_52 = vector.extract_strided_slice %mul3A_46 {offsets = [24, 0], sizes = [8, 196], strides = [1, 1]} : vector<64x196xf32> to vector<8x196xf32>
    %add3A_53 = arith.addf %add3A_51, %slice3A_52 : vector<8x196xf32>
    %slice3A_54 = vector.extract_strided_slice %mul3A_46 {offsets = [32, 0], sizes = [8, 196], strides = [1, 1]} : vector<64x196xf32> to vector<8x196xf32>
    %add3A_55 = arith.addf %add3A_53, %slice3A_54 : vector<8x196xf32>
    %slice3A_56 = vector.extract_strided_slice %mul3A_46 {offsets = [40, 0], sizes = [8, 196], strides = [1, 1]} : vector<64x196xf32> to vector<8x196xf32>
    %add3A_57 = arith.addf %add3A_55, %slice3A_56 : vector<8x196xf32>
    %slice3A_58 = vector.extract_strided_slice %mul3A_46 {offsets = [48, 0], sizes = [8, 196], strides = [1, 1]} : vector<64x196xf32> to vector<8x196xf32>
    %add3A_59 = arith.addf %add3A_57, %slice3A_58 : vector<8x196xf32>
    %slice3A_60 = vector.extract_strided_slice %mul3A_46 {offsets = [56, 0], sizes = [8, 196], strides = [1, 1]} : vector<64x196xf32> to vector<8x196xf32>
    %add3A_61 = arith.addf %add3A_59, %slice3A_60 : vector<8x196xf32>
    %slice3A_62 = vector.extract_strided_slice %add3A_61 {offsets = [0, 0], sizes = [1, 196], strides = [1, 1]} : vector<8x196xf32> to vector<1x196xf32>
    %slice3A_63 = vector.extract_strided_slice %add3A_61 {offsets = [4, 0], sizes = [1, 196], strides = [1, 1]} : vector<8x196xf32> to vector<1x196xf32>
    %add3A_64 = arith.addf %slice3A_62, %slice3A_63 : vector<1x196xf32>
    %slice3A_65 = vector.extract_strided_slice %add3A_61 {offsets = [2, 0], sizes = [1, 196], strides = [1, 1]} : vector<8x196xf32> to vector<1x196xf32>
    %slice3A_66 = vector.extract_strided_slice %add3A_61 {offsets = [6, 0], sizes = [1, 196], strides = [1, 1]} : vector<8x196xf32> to vector<1x196xf32>
    %add3A_67 = arith.addf %slice3A_65, %slice3A_66 : vector<1x196xf32>
    %slice3A_68 = vector.extract_strided_slice %add3A_61 {offsets = [1, 0], sizes = [1, 196], strides = [1, 1]} : vector<8x196xf32> to vector<1x196xf32>
    %slice3A_69 = vector.extract_strided_slice %add3A_61 {offsets = [5, 0], sizes = [1, 196], strides = [1, 1]} : vector<8x196xf32> to vector<1x196xf32>
    %add3A_70 = arith.addf %slice3A_68, %slice3A_69 : vector<1x196xf32>
    %slice3A_71 = vector.extract_strided_slice %add3A_61 {offsets = [3, 0], sizes = [1, 196], strides = [1, 1]} : vector<8x196xf32> to vector<1x196xf32>
    %slice3A_72 = vector.extract_strided_slice %add3A_61 {offsets = [7, 0], sizes = [1, 196], strides = [1, 1]} : vector<8x196xf32> to vector<1x196xf32>
    %add3A_73 = arith.addf %slice3A_71, %slice3A_72 : vector<1x196xf32>
    %add3A_74 = arith.addf %add3A_64, %add3A_67 : vector<1x196xf32>
    %add3A_75 = arith.addf %add3A_70, %add3A_73 : vector<1x196xf32>
    %add3A_76 = arith.addf %add3A_74, %add3A_75 : vector<1x196xf32>
    %sqrt3A_77 = math.sqrt %add3A_76 : vector<1x196xf32>
    %get3A_78 = arith.constant 0 : index
    %get3A_79 = arith.constant 0 : index
    %get3A_80 = vector.load %arg2[%get3A_78, %get3A_79] : memref<4x196xi32, #tpu.memory_space<vmem>>, vector<1x196xi32>
    %get3A_81 = vector.shape_cast %get3A_80 : vector<1x196xi32> to vector<196xi32>
    %broadcast_in_dim3A = vector.shape_cast %get3A_81 : vector<196xi32> to vector<1x196xi32>
    %get3A_82 = arith.constant 0 : index
    %get3A_83 = arith.constant 0 : index
    %get3A_84 = vector.load %arg3[%get3A_82, %get3A_83] : memref<4x196xi32, #tpu.memory_space<vmem>>, vector<1x196xi32>
    %get3A_85 = vector.shape_cast %get3A_84 : vector<1x196xi32> to vector<196xi32>
    %broadcast_in_dim3A_86 = vector.shape_cast %get3A_85 : vector<196xi32> to vector<1x196xi32>
    %lt3A = arith.cmpf olt, %sqrt3A_77, %sqrt3A : vector<1x196xf32>
    %eq3A = arith.cmpf oeq, %sqrt3A_77, %sqrt3A : vector<1x196xf32>
    %lt3A_87 = arith.cmpi slt, %broadcast_in_dim3A_86, %broadcast_in_dim3A : vector<1x196xi32>
    %and3A = arith.andi %eq3A, %lt3A_87 : vector<1x196xi1>
    %or3A = arith.ori %lt3A, %and3A : vector<1x196xi1>
    %select_n3A = arith.select %or3A, %broadcast_in_dim3A_86, %broadcast_in_dim3A : vector<1x196xi1>, vector<1x196xi32>
    %squeeze3A = vector.shape_cast %select_n3A : vector<1x196xi32> to vector<196xi32>
    %swap3A = arith.constant 0 : index
    %swap3A_88 = arith.constant 0 : index
    %swap3A_89 = vector.load %arg5[%swap3A, %swap3A_88] : memref<4x196xi32, #tpu.memory_space<vmem>>, vector<1x196xi32>
    %swap3A_90 = vector.shape_cast %swap3A_89 : vector<1x196xi32> to vector<196xi32>
    %swap3A_91 = vector.shape_cast %squeeze3A : vector<196xi32> to vector<1x196xi32>
    tpu.vector_store %arg5[%swap3A, %swap3A_88], %swap3A_91 {strides = array<i32>} : memref<4x196xi32, #tpu.memory_space<vmem>>, vector<1x196xi32>,
    %broadcast_in_dim3A_92 = vector.shape_cast %or3A : vector<1x196xi1> to vector<1x196xi1>
    %broadcast_in_dim3A_93 = vector.broadcast %broadcast_in_dim3A_92 : vector<1x196xi1> to vector<64x196xi1>
    %select_n3A_94 = arith.select %broadcast_in_dim3A_93, %slice3A_15, %slice3A : vector<64x196xi1>, vector<64x196xf32>
    %swap3A_95 = arith.constant 0 : index
    %swap3A_96 = arith.constant 0 : index
    %swap3A_97 = arith.constant 0 : index
    %swap3A_98 = vector.load %arg4[%swap3A_95, %swap3A_96, %swap3A_97] : memref<4x64x196xf32, #tpu.memory_space<vmem>>, vector<1x64x196xf32>
    %swap3A_99 = vector.shape_cast %swap3A_98 : vector<1x64x196xf32> to vector<64x196xf32>
    %swap3A_100 = vector.shape_cast %select_n3A_94 : vector<64x196xf32> to vector<1x64x196xf32>
    tpu.vector_store %arg4[%swap3A_95, %swap3A_96, %swap3A_97], %swap3A_100 {strides = array<i32>} : memref<4x64x196xf32, #tpu.memory_space<vmem>>, vector<1x64x196xf32>,
    %get3A_101 = arith.constant 1 : index
    %get3A_102 = arith.constant 0 : index
    %get3A_103 = arith.constant 0 : index
    %get3A_104 = vector.load %arg0[%get3A_101, %get3A_102, %get3A_103] : memref<4x64x196xf32, #tpu.memory_space<vmem>>, vector<1x64x196xf32>
    %get3A_105 = vector.shape_cast %get3A_104 : vector<1x64x196xf32> to vector<64x196xf32>
    %get3A_106 = arith.constant 1 : index
    %get3A_107 = arith.constant 0 : index
    %get3A_108 = arith.constant 0 : index
    %get3A_109 = vector.load %arg1[%get3A_106, %get3A_107, %get3A_108] : memref<8x224x128xf32, #tpu.memory_space<vmem>>, vector<1x224x128xf32>
    %get3A_110 = vector.shape_cast %get3A_109 : vector<1x224x128xf32> to vector<224x128xf32>
    %transpose3A_111 = tpu.transpose %get3A_110, [1, 0] : vector<224x128xf32> -> vector<128x224xf32>
    %slice3A_112 = vector.extract_strided_slice %transpose3A_111 {offsets = [0, 0], sizes = [64, 196], strides = [1, 1]} : vector<128x224xf32> to vector<64x196xf32>
    %get3A_113 = arith.constant 5 : index
    %get3A_114 = arith.constant 0 : index
    %get3A_115 = arith.constant 0 : index
    %get3A_116 = vector.load %arg1[%get3A_113, %get3A_114, %get3A_115] : memref<8x224x128xf32, #tpu.memory_space<vmem>>, vector<1x224x128xf32>
    %get3A_117 = vector.shape_cast %get3A_116 : vector<1x224x128xf32> to vector<224x128xf32>
    %transpose3A_118 = tpu.transpose %get3A_117, [1, 0] : vector<224x128xf32> -> vector<128x224xf32>
    %slice3A_119 = vector.extract_strided_slice %transpose3A_118 {offsets = [0, 0], sizes = [64, 196], strides = [1, 1]} : vector<128x224xf32> to vector<64x196xf32>
    %sub3A_120 = arith.subf %get3A_105, %slice3A_112 : vector<64x196xf32>
    %mul3A_121 = arith.mulf %sub3A_120, %sub3A_120 : vector<64x196xf32>
    %slice3A_122 = vector.extract_strided_slice %mul3A_121 {offsets = [0, 0], sizes = [8, 196], strides = [1, 1]} : vector<64x196xf32> to vector<8x196xf32>
    %slice3A_123 = vector.extract_strided_slice %mul3A_121 {offsets = [8, 0], sizes = [8, 196], strides = [1, 1]} : vector<64x196xf32> to vector<8x196xf32>
    %add3A_124 = arith.addf %slice3A_122, %slice3A_123 : vector<8x196xf32>
    %slice3A_125 = vector.extract_strided_slice %mul3A_121 {offsets = [16, 0], sizes = [8, 196], strides = [1, 1]} : vector<64x196xf32> to vector<8x196xf32>
    %add3A_126 = arith.addf %add3A_124, %slice3A_125 : vector<8x196xf32>
    %slice3A_127 = vector.extract_strided_slice %mul3A_121 {offsets = [24, 0], sizes = [8, 196], strides = [1, 1]} : vector<64x196xf32> to vector<8x196xf32>
    %add3A_128 = arith.addf %add3A_126, %slice3A_127 : vector<8x196xf32>
    %slice3A_129 = vector.extract_strided_slice %mul3A_121 {offsets = [32, 0], sizes = [8, 196], strides = [1, 1]} : vector<64x196xf32> to vector<8x196xf32>
    %add3A_130 = arith.addf %add3A_128, %slice3A_129 : vector<8x196xf32>
    %slice3A_131 = vector.extract_strided_slice %mul3A_121 {offsets = [40, 0], sizes = [8, 196], strides = [1, 1]} : vector<64x196xf32> to vector<8x196xf32>
    %add3A_132 = arith.addf %add3A_130, %slice3A_131 : vector<8x196xf32>
    %slice3A_133 = vector.extract_strided_slice %mul3A_121 {offsets = [48, 0], sizes = [8, 196], strides = [1, 1]} : vector<64x196xf32> to vector<8x196xf32>
    %add3A_134 = arith.addf %add3A_132, %slice3A_133 : vector<8x196xf32>
    %slice3A_135 = vector.extract_strided_slice %mul3A_121 {offsets = [56, 0], sizes = [8, 196], strides = [1, 1]} : vector<64x196xf32> to vector<8x196xf32>
    %add3A_136 = arith.addf %add3A_134, %slice3A_135 : vector<8x196xf32>
    %slice3A_137 = vector.extract_strided_slice %add3A_136 {offsets = [0, 0], sizes = [1, 196], strides = [1, 1]} : vector<8x196xf32> to vector<1x196xf32>
    %slice3A_138 = vector.extract_strided_slice %add3A_136 {offsets = [4, 0], sizes = [1, 196], strides = [1, 1]} : vector<8x196xf32> to vector<1x196xf32>
    %add3A_139 = arith.addf %slice3A_137, %slice3A_138 : vector<1x196xf32>
    %slice3A_140 = vector.extract_strided_slice %add3A_136 {offsets = [2, 0], sizes = [1, 196], strides = [1, 1]} : vector<8x196xf32> to vector<1x196xf32>
    %slice3A_141 = vector.extract_strided_slice %add3A_136 {offsets = [6, 0], sizes = [1, 196], strides = [1, 1]} : vector<8x196xf32> to vector<1x196xf32>
    %add3A_142 = arith.addf %slice3A_140, %slice3A_141 : vector<1x196xf32>
    %slice3A_143 = vector.extract_strided_slice %add3A_136 {offsets = [1, 0], sizes = [1, 196], strides = [1, 1]} : vector<8x196xf32> to vector<1x196xf32>
    %slice3A_144 = vector.extract_strided_slice %add3A_136 {offsets = [5, 0], sizes = [1, 196], strides = [1, 1]} : vector<8x196xf32> to vector<1x196xf32>
    %add3A_145 = arith.addf %slice3A_143, %slice3A_144 : vector<1x196xf32>
    %slice3A_146 = vector.extract_strided_slice %add3A_136 {offsets = [3, 0], sizes = [1, 196], strides = [1, 1]} : vector<8x196xf32> to vector<1x196xf32>
    %slice3A_147 = vector.extract_strided_slice %add3A_136 {offsets = [7, 0], sizes = [1, 196], strides = [1, 1]} : vector<8x196xf32> to vector<1x196xf32>
    %add3A_148 = arith.addf %slice3A_146, %slice3A_147 : vector<1x196xf32>
    %add3A_149 = arith.addf %add3A_139, %add3A_142 : vector<1x196xf32>
    %add3A_150 = arith.addf %add3A_145, %add3A_148 : vector<1x196xf32>
    %add3A_151 = arith.addf %add3A_149, %add3A_150 : vector<1x196xf32>
    %sqrt3A_152 = math.sqrt %add3A_151 : vector<1x196xf32>
    %sub3A_153 = arith.subf %get3A_105, %slice3A_119 : vector<64x196xf32>
    %mul3A_154 = arith.mulf %sub3A_153, %sub3A_153 : vector<64x196xf32>
    %slice3A_155 = vector.extract_strided_slice %mul3A_154 {offsets = [0, 0], sizes = [8, 196], strides = [1, 1]} : vector<64x196xf32> to vector<8x196xf32>
    %slice3A_156 = vector.extract_strided_slice %mul3A_154 {offsets = [8, 0], sizes = [8, 196], strides = [1, 1]} : vector<64x196xf32> to vector<8x196xf32>
    %add3A_157 = arith.addf %slice3A_155, %slice3A_156 : vector<8x196xf32>
    %slice3A_158 = vector.extract_strided_slice %mul3A_154 {offsets = [16, 0], sizes = [8, 196], strides = [1, 1]} : vector<64x196xf32> to vector<8x196xf32>
    %add3A_159 = arith.addf %add3A_157, %slice3A_158 : vector<8x196xf32>
    %slice3A_160 = vector.extract_strided_slice %mul3A_154 {offsets = [24, 0], sizes = [8, 196], strides = [1, 1]} : vector<64x196xf32> to vector<8x196xf32>
    %add3A_161 = arith.addf %add3A_159, %slice3A_160 : vector<8x196xf32>
    %slice3A_162 = vector.extract_strided_slice %mul3A_154 {offsets = [32, 0], sizes = [8, 196], strides = [1, 1]} : vector<64x196xf32> to vector<8x196xf32>
    %add3A_163 = arith.addf %add3A_161, %slice3A_162 : vector<8x196xf32>
    %slice3A_164 = vector.extract_strided_slice %mul3A_154 {offsets = [40, 0], sizes = [8, 196], strides = [1, 1]} : vector<64x196xf32> to vector<8x196xf32>
    %add3A_165 = arith.addf %add3A_163, %slice3A_164 : vector<8x196xf32>
    %slice3A_166 = vector.extract_strided_slice %mul3A_154 {offsets = [48, 0], sizes = [8, 196], strides = [1, 1]} : vector<64x196xf32> to vector<8x196xf32>
    %add3A_167 = arith.addf %add3A_165, %slice3A_166 : vector<8x196xf32>
    %slice3A_168 = vector.extract_strided_slice %mul3A_154 {offsets = [56, 0], sizes = [8, 196], strides = [1, 1]} : vector<64x196xf32> to vector<8x196xf32>
    %add3A_169 = arith.addf %add3A_167, %slice3A_168 : vector<8x196xf32>
    %slice3A_170 = vector.extract_strided_slice %add3A_169 {offsets = [0, 0], sizes = [1, 196], strides = [1, 1]} : vector<8x196xf32> to vector<1x196xf32>
    %slice3A_171 = vector.extract_strided_slice %add3A_169 {offsets = [4, 0], sizes = [1, 196], strides = [1, 1]} : vector<8x196xf32> to vector<1x196xf32>
    %add3A_172 = arith.addf %slice3A_170, %slice3A_171 : vector<1x196xf32>
    %slice3A_173 = vector.extract_strided_slice %add3A_169 {offsets = [2, 0], sizes = [1, 196], strides = [1, 1]} : vector<8x196xf32> to vector<1x196xf32>
    %slice3A_174 = vector.extract_strided_slice %add3A_169 {offsets = [6, 0], sizes = [1, 196], strides = [1, 1]} : vector<8x196xf32> to vector<1x196xf32>
    %add3A_175 = arith.addf %slice3A_173, %slice3A_174 : vector<1x196xf32>
    %slice3A_176 = vector.extract_strided_slice %add3A_169 {offsets = [1, 0], sizes = [1, 196], strides = [1, 1]} : vector<8x196xf32> to vector<1x196xf32>
    %slice3A_177 = vector.extract_strided_slice %add3A_169 {offsets = [5, 0], sizes = [1, 196], strides = [1, 1]} : vector<8x196xf32> to vector<1x196xf32>
    %add3A_178 = arith.addf %slice3A_176, %slice3A_177 : vector<1x196xf32>
    %slice3A_179 = vector.extract_strided_slice %add3A_169 {offsets = [3, 0], sizes = [1, 196], strides = [1, 1]} : vector<8x196xf32> to vector<1x196xf32>
    %slice3A_180 = vector.extract_strided_slice %add3A_169 {offsets = [7, 0], sizes = [1, 196], strides = [1, 1]} : vector<8x196xf32> to vector<1x196xf32>
    %add3A_181 = arith.addf %slice3A_179, %slice3A_180 : vector<1x196xf32>
    %add3A_182 = arith.addf %add3A_172, %add3A_175 : vector<1x196xf32>
    %add3A_183 = arith.addf %add3A_178, %add3A_181 : vector<1x196xf32>
    %add3A_184 = arith.addf %add3A_182, %add3A_183 : vector<1x196xf32>
    %sqrt3A_185 = math.sqrt %add3A_184 : vector<1x196xf32>
    %get3A_186 = arith.constant 1 : index
    %get3A_187 = arith.constant 0 : index
    %get3A_188 = vector.load %arg2[%get3A_186, %get3A_187] : memref<4x196xi32, #tpu.memory_space<vmem>>, vector<1x196xi32>
    %get3A_189 = vector.shape_cast %get3A_188 : vector<1x196xi32> to vector<196xi32>
    %broadcast_in_dim3A_190 = vector.shape_cast %get3A_189 : vector<196xi32> to vector<1x196xi32>
    %get3A_191 = arith.constant 1 : index
    %get3A_192 = arith.constant 0 : index
    %get3A_193 = vector.load %arg3[%get3A_191, %get3A_192] : memref<4x196xi32, #tpu.memory_space<vmem>>, vector<1x196xi32>
    %get3A_194 = vector.shape_cast %get3A_193 : vector<1x196xi32> to vector<196xi32>
    %broadcast_in_dim3A_195 = vector.shape_cast %get3A_194 : vector<196xi32> to vector<1x196xi32>
    %lt3A_196 = arith.cmpf olt, %sqrt3A_185, %sqrt3A_152 : vector<1x196xf32>
    %eq3A_197 = arith.cmpf oeq, %sqrt3A_185, %sqrt3A_152 : vector<1x196xf32>
    %lt3A_198 = arith.cmpi slt, %broadcast_in_dim3A_195, %broadcast_in_dim3A_190 : vector<1x196xi32>
    %and3A_199 = arith.andi %eq3A_197, %lt3A_198 : vector<1x196xi1>
    %or3A_200 = arith.ori %lt3A_196, %and3A_199 : vector<1x196xi1>
    %select_n3A_201 = arith.select %or3A_200, %broadcast_in_dim3A_195, %broadcast_in_dim3A_190 : vector<1x196xi1>, vector<1x196xi32>
    %squeeze3A_202 = vector.shape_cast %select_n3A_201 : vector<1x196xi32> to vector<196xi32>
    %swap3A_203 = arith.constant 1 : index
    %swap3A_204 = arith.constant 0 : index
    %swap3A_205 = vector.load %arg5[%swap3A_203, %swap3A_204] : memref<4x196xi32, #tpu.memory_space<vmem>>, vector<1x196xi32>
    %swap3A_206 = vector.shape_cast %swap3A_205 : vector<1x196xi32> to vector<196xi32>
    %swap3A_207 = vector.shape_cast %squeeze3A_202 : vector<196xi32> to vector<1x196xi32>
    tpu.vector_store %arg5[%swap3A_203, %swap3A_204], %swap3A_207 {strides = array<i32>} : memref<4x196xi32, #tpu.memory_space<vmem>>, vector<1x196xi32>,
    %broadcast_in_dim3A_208 = vector.shape_cast %or3A_200 : vector<1x196xi1> to vector<1x196xi1>
    %broadcast_in_dim3A_209 = vector.broadcast %broadcast_in_dim3A_208 : vector<1x196xi1> to vector<64x196xi1>
    %select_n3A_210 = arith.select %broadcast_in_dim3A_209, %slice3A_119, %slice3A_112 : vector<64x196xi1>, vector<64x196xf32>
    %swap3A_211 = arith.constant 1 : index
    %swap3A_212 = arith.constant 0 : index
    %swap3A_213 = arith.constant 0 : index
    %swap3A_214 = vector.load %arg4[%swap3A_211, %swap3A_212, %swap3A_213] : memref<4x64x196xf32, #tpu.memory_space<vmem>>, vector<1x64x196xf32>
    %swap3A_215 = vector.shape_cast %swap3A_214 : vector<1x64x196xf32> to vector<64x196xf32>
    %swap3A_216 = vector.shape_cast %select_n3A_210 : vector<64x196xf32> to vector<1x64x196xf32>
    tpu.vector_store %arg4[%swap3A_211, %swap3A_212, %swap3A_213], %swap3A_216 {strides = array<i32>} : memref<4x64x196xf32, #tpu.memory_space<vmem>>, vector<1x64x196xf32>,
    %get3A_217 = arith.constant 2 : index
    %get3A_218 = arith.constant 0 : index
    %get3A_219 = arith.constant 0 : index
    %get3A_220 = vector.load %arg0[%get3A_217, %get3A_218, %get3A_219] : memref<4x64x196xf32, #tpu.memory_space<vmem>>, vector<1x64x196xf32>
    %get3A_221 = vector.shape_cast %get3A_220 : vector<1x64x196xf32> to vector<64x196xf32>
    %get3A_222 = arith.constant 2 : index
    %get3A_223 = arith.constant 0 : index
    %get3A_224 = arith.constant 0 : index
    %get3A_225 = vector.load %arg1[%get3A_222, %get3A_223, %get3A_224] : memref<8x224x128xf32, #tpu.memory_space<vmem>>, vector<1x224x128xf32>
    %get3A_226 = vector.shape_cast %get3A_225 : vector<1x224x128xf32> to vector<224x128xf32>
    %transpose3A_227 = tpu.transpose %get3A_226, [1, 0] : vector<224x128xf32> -> vector<128x224xf32>
    %slice3A_228 = vector.extract_strided_slice %transpose3A_227 {offsets = [0, 0], sizes = [64, 196], strides = [1, 1]} : vector<128x224xf32> to vector<64x196xf32>
    %get3A_229 = arith.constant 6 : index
    %get3A_230 = arith.constant 0 : index
    %get3A_231 = arith.constant 0 : index
    %get3A_232 = vector.load %arg1[%get3A_229, %get3A_230, %get3A_231] : memref<8x224x128xf32, #tpu.memory_space<vmem>>, vector<1x224x128xf32>
    %get3A_233 = vector.shape_cast %get3A_232 : vector<1x224x128xf32> to vector<224x128xf32>
    %transpose3A_234 = tpu.transpose %get3A_233, [1, 0] : vector<224x128xf32> -> vector<128x224xf32>
    %slice3A_235 = vector.extract_strided_slice %transpose3A_234 {offsets = [0, 0], sizes = [64, 196], strides = [1, 1]} : vector<128x224xf32> to vector<64x196xf32>
    %sub3A_236 = arith.subf %get3A_221, %slice3A_228 : vector<64x196xf32>
    %mul3A_237 = arith.mulf %sub3A_236, %sub3A_236 : vector<64x196xf32>
    %slice3A_238 = vector.extract_strided_slice %mul3A_237 {offsets = [0, 0], sizes = [8, 196], strides = [1, 1]} : vector<64x196xf32> to vector<8x196xf32>
    %slice3A_239 = vector.extract_strided_slice %mul3A_237 {offsets = [8, 0], sizes = [8, 196], strides = [1, 1]} : vector<64x196xf32> to vector<8x196xf32>
    %add3A_240 = arith.addf %slice3A_238, %slice3A_239 : vector<8x196xf32>
    %slice3A_241 = vector.extract_strided_slice %mul3A_237 {offsets = [16, 0], sizes = [8, 196], strides = [1, 1]} : vector<64x196xf32> to vector<8x196xf32>
    %add3A_242 = arith.addf %add3A_240, %slice3A_241 : vector<8x196xf32>
    %slice3A_243 = vector.extract_strided_slice %mul3A_237 {offsets = [24, 0], sizes = [8, 196], strides = [1, 1]} : vector<64x196xf32> to vector<8x196xf32>
    %add3A_244 = arith.addf %add3A_242, %slice3A_243 : vector<8x196xf32>
    %slice3A_245 = vector.extract_strided_slice %mul3A_237 {offsets = [32, 0], sizes = [8, 196], strides = [1, 1]} : vector<64x196xf32> to vector<8x196xf32>
    %add3A_246 = arith.addf %add3A_244, %slice3A_245 : vector<8x196xf32>
    %slice3A_247 = vector.extract_strided_slice %mul3A_237 {offsets = [40, 0], sizes = [8, 196], strides = [1, 1]} : vector<64x196xf32> to vector<8x196xf32>
    %add3A_248 = arith.addf %add3A_246, %slice3A_247 : vector<8x196xf32>
    %slice3A_249 = vector.extract_strided_slice %mul3A_237 {offsets = [48, 0], sizes = [8, 196], strides = [1, 1]} : vector<64x196xf32> to vector<8x196xf32>
    %add3A_250 = arith.addf %add3A_248, %slice3A_249 : vector<8x196xf32>
    %slice3A_251 = vector.extract_strided_slice %mul3A_237 {offsets = [56, 0], sizes = [8, 196], strides = [1, 1]} : vector<64x196xf32> to vector<8x196xf32>
    %add3A_252 = arith.addf %add3A_250, %slice3A_251 : vector<8x196xf32>
    %slice3A_253 = vector.extract_strided_slice %add3A_252 {offsets = [0, 0], sizes = [1, 196], strides = [1, 1]} : vector<8x196xf32> to vector<1x196xf32>
    %slice3A_254 = vector.extract_strided_slice %add3A_252 {offsets = [4, 0], sizes = [1, 196], strides = [1, 1]} : vector<8x196xf32> to vector<1x196xf32>
    %add3A_255 = arith.addf %slice3A_253, %slice3A_254 : vector<1x196xf32>
    %slice3A_256 = vector.extract_strided_slice %add3A_252 {offsets = [2, 0], sizes = [1, 196], strides = [1, 1]} : vector<8x196xf32> to vector<1x196xf32>
    %slice3A_257 = vector.extract_strided_slice %add3A_252 {offsets = [6, 0], sizes = [1, 196], strides = [1, 1]} : vector<8x196xf32> to vector<1x196xf32>
    %add3A_258 = arith.addf %slice3A_256, %slice3A_257 : vector<1x196xf32>
    %slice3A_259 = vector.extract_strided_slice %add3A_252 {offsets = [1, 0], sizes = [1, 196], strides = [1, 1]} : vector<8x196xf32> to vector<1x196xf32>
    %slice3A_260 = vector.extract_strided_slice %add3A_252 {offsets = [5, 0], sizes = [1, 196], strides = [1, 1]} : vector<8x196xf32> to vector<1x196xf32>
    %add3A_261 = arith.addf %slice3A_259, %slice3A_260 : vector<1x196xf32>
    %slice3A_262 = vector.extract_strided_slice %add3A_252 {offsets = [3, 0], sizes = [1, 196], strides = [1, 1]} : vector<8x196xf32> to vector<1x196xf32>
    %slice3A_263 = vector.extract_strided_slice %add3A_252 {offsets = [7, 0], sizes = [1, 196], strides = [1, 1]} : vector<8x196xf32> to vector<1x196xf32>
    %add3A_264 = arith.addf %slice3A_262, %slice3A_263 : vector<1x196xf32>
    %add3A_265 = arith.addf %add3A_255, %add3A_258 : vector<1x196xf32>
    %add3A_266 = arith.addf %add3A_261, %add3A_264 : vector<1x196xf32>
    %add3A_267 = arith.addf %add3A_265, %add3A_266 : vector<1x196xf32>
    %sqrt3A_268 = math.sqrt %add3A_267 : vector<1x196xf32>
    %sub3A_269 = arith.subf %get3A_221, %slice3A_235 : vector<64x196xf32>
    %mul3A_270 = arith.mulf %sub3A_269, %sub3A_269 : vector<64x196xf32>
    %slice3A_271 = vector.extract_strided_slice %mul3A_270 {offsets = [0, 0], sizes = [8, 196], strides = [1, 1]} : vector<64x196xf32> to vector<8x196xf32>
    %slice3A_272 = vector.extract_strided_slice %mul3A_270 {offsets = [8, 0], sizes = [8, 196], strides = [1, 1]} : vector<64x196xf32> to vector<8x196xf32>
    %add3A_273 = arith.addf %slice3A_271, %slice3A_272 : vector<8x196xf32>
    %slice3A_274 = vector.extract_strided_slice %mul3A_270 {offsets = [16, 0], sizes = [8, 196], strides = [1, 1]} : vector<64x196xf32> to vector<8x196xf32>
    %add3A_275 = arith.addf %add3A_273, %slice3A_274 : vector<8x196xf32>
    %slice3A_276 = vector.extract_strided_slice %mul3A_270 {offsets = [24, 0], sizes = [8, 196], strides = [1, 1]} : vector<64x196xf32> to vector<8x196xf32>
    %add3A_277 = arith.addf %add3A_275, %slice3A_276 : vector<8x196xf32>
    %slice3A_278 = vector.extract_strided_slice %mul3A_270 {offsets = [32, 0], sizes = [8, 196], strides = [1, 1]} : vector<64x196xf32> to vector<8x196xf32>
    %add3A_279 = arith.addf %add3A_277, %slice3A_278 : vector<8x196xf32>
    %slice3A_280 = vector.extract_strided_slice %mul3A_270 {offsets = [40, 0], sizes = [8, 196], strides = [1, 1]} : vector<64x196xf32> to vector<8x196xf32>
    %add3A_281 = arith.addf %add3A_279, %slice3A_280 : vector<8x196xf32>
    %slice3A_282 = vector.extract_strided_slice %mul3A_270 {offsets = [48, 0], sizes = [8, 196], strides = [1, 1]} : vector<64x196xf32> to vector<8x196xf32>
    %add3A_283 = arith.addf %add3A_281, %slice3A_282 : vector<8x196xf32>
    %slice3A_284 = vector.extract_strided_slice %mul3A_270 {offsets = [56, 0], sizes = [8, 196], strides = [1, 1]} : vector<64x196xf32> to vector<8x196xf32>
    %add3A_285 = arith.addf %add3A_283, %slice3A_284 : vector<8x196xf32>
    %slice3A_286 = vector.extract_strided_slice %add3A_285 {offsets = [0, 0], sizes = [1, 196], strides = [1, 1]} : vector<8x196xf32> to vector<1x196xf32>
    %slice3A_287 = vector.extract_strided_slice %add3A_285 {offsets = [4, 0], sizes = [1, 196], strides = [1, 1]} : vector<8x196xf32> to vector<1x196xf32>
    %add3A_288 = arith.addf %slice3A_286, %slice3A_287 : vector<1x196xf32>
    %slice3A_289 = vector.extract_strided_slice %add3A_285 {offsets = [2, 0], sizes = [1, 196], strides = [1, 1]} : vector<8x196xf32> to vector<1x196xf32>
    %slice3A_290 = vector.extract_strided_slice %add3A_285 {offsets = [6, 0], sizes = [1, 196], strides = [1, 1]} : vector<8x196xf32> to vector<1x196xf32>
    %add3A_291 = arith.addf %slice3A_289, %slice3A_290 : vector<1x196xf32>
    %slice3A_292 = vector.extract_strided_slice %add3A_285 {offsets = [1, 0], sizes = [1, 196], strides = [1, 1]} : vector<8x196xf32> to vector<1x196xf32>
    %slice3A_293 = vector.extract_strided_slice %add3A_285 {offsets = [5, 0], sizes = [1, 196], strides = [1, 1]} : vector<8x196xf32> to vector<1x196xf32>
    %add3A_294 = arith.addf %slice3A_292, %slice3A_293 : vector<1x196xf32>
    %slice3A_295 = vector.extract_strided_slice %add3A_285 {offsets = [3, 0], sizes = [1, 196], strides = [1, 1]} : vector<8x196xf32> to vector<1x196xf32>
    %slice3A_296 = vector.extract_strided_slice %add3A_285 {offsets = [7, 0], sizes = [1, 196], strides = [1, 1]} : vector<8x196xf32> to vector<1x196xf32>
    %add3A_297 = arith.addf %slice3A_295, %slice3A_296 : vector<1x196xf32>
    %add3A_298 = arith.addf %add3A_288, %add3A_291 : vector<1x196xf32>
    %add3A_299 = arith.addf %add3A_294, %add3A_297 : vector<1x196xf32>
    %add3A_300 = arith.addf %add3A_298, %add3A_299 : vector<1x196xf32>
    %sqrt3A_301 = math.sqrt %add3A_300 : vector<1x196xf32>
    %get3A_302 = arith.constant 2 : index
    %get3A_303 = arith.constant 0 : index
    %get3A_304 = vector.load %arg2[%get3A_302, %get3A_303] : memref<4x196xi32, #tpu.memory_space<vmem>>, vector<1x196xi32>
    %get3A_305 = vector.shape_cast %get3A_304 : vector<1x196xi32> to vector<196xi32>
    %broadcast_in_dim3A_306 = vector.shape_cast %get3A_305 : vector<196xi32> to vector<1x196xi32>
    %get3A_307 = arith.constant 2 : index
    %get3A_308 = arith.constant 0 : index
    %get3A_309 = vector.load %arg3[%get3A_307, %get3A_308] : memref<4x196xi32, #tpu.memory_space<vmem>>, vector<1x196xi32>
    %get3A_310 = vector.shape_cast %get3A_309 : vector<1x196xi32> to vector<196xi32>
    %broadcast_in_dim3A_311 = vector.shape_cast %get3A_310 : vector<196xi32> to vector<1x196xi32>
    %lt3A_312 = arith.cmpf olt, %sqrt3A_301, %sqrt3A_268 : vector<1x196xf32>
    %eq3A_313 = arith.cmpf oeq, %sqrt3A_301, %sqrt3A_268 : vector<1x196xf32>
    %lt3A_314 = arith.cmpi slt, %broadcast_in_dim3A_311, %broadcast_in_dim3A_306 : vector<1x196xi32>
    %and3A_315 = arith.andi %eq3A_313, %lt3A_314 : vector<1x196xi1>
    %or3A_316 = arith.ori %lt3A_312, %and3A_315 : vector<1x196xi1>
    %select_n3A_317 = arith.select %or3A_316, %broadcast_in_dim3A_311, %broadcast_in_dim3A_306 : vector<1x196xi1>, vector<1x196xi32>
    %squeeze3A_318 = vector.shape_cast %select_n3A_317 : vector<1x196xi32> to vector<196xi32>
    %swap3A_319 = arith.constant 2 : index
    %swap3A_320 = arith.constant 0 : index
    %swap3A_321 = vector.load %arg5[%swap3A_319, %swap3A_320] : memref<4x196xi32, #tpu.memory_space<vmem>>, vector<1x196xi32>
    %swap3A_322 = vector.shape_cast %swap3A_321 : vector<1x196xi32> to vector<196xi32>
    %swap3A_323 = vector.shape_cast %squeeze3A_318 : vector<196xi32> to vector<1x196xi32>
    tpu.vector_store %arg5[%swap3A_319, %swap3A_320], %swap3A_323 {strides = array<i32>} : memref<4x196xi32, #tpu.memory_space<vmem>>, vector<1x196xi32>,
    %broadcast_in_dim3A_324 = vector.shape_cast %or3A_316 : vector<1x196xi1> to vector<1x196xi1>
    %broadcast_in_dim3A_325 = vector.broadcast %broadcast_in_dim3A_324 : vector<1x196xi1> to vector<64x196xi1>
    %select_n3A_326 = arith.select %broadcast_in_dim3A_325, %slice3A_235, %slice3A_228 : vector<64x196xi1>, vector<64x196xf32>
    %swap3A_327 = arith.constant 2 : index
    %swap3A_328 = arith.constant 0 : index
    %swap3A_329 = arith.constant 0 : index
    %swap3A_330 = vector.load %arg4[%swap3A_327, %swap3A_328, %swap3A_329] : memref<4x64x196xf32, #tpu.memory_space<vmem>>, vector<1x64x196xf32>
    %swap3A_331 = vector.shape_cast %swap3A_330 : vector<1x64x196xf32> to vector<64x196xf32>
    %swap3A_332 = vector.shape_cast %select_n3A_326 : vector<64x196xf32> to vector<1x64x196xf32>
    tpu.vector_store %arg4[%swap3A_327, %swap3A_328, %swap3A_329], %swap3A_332 {strides = array<i32>} : memref<4x64x196xf32, #tpu.memory_space<vmem>>, vector<1x64x196xf32>,
    %get3A_333 = arith.constant 3 : index
    %get3A_334 = arith.constant 0 : index
    %get3A_335 = arith.constant 0 : index
    %get3A_336 = vector.load %arg0[%get3A_333, %get3A_334, %get3A_335] : memref<4x64x196xf32, #tpu.memory_space<vmem>>, vector<1x64x196xf32>
    %get3A_337 = vector.shape_cast %get3A_336 : vector<1x64x196xf32> to vector<64x196xf32>
    %get3A_338 = arith.constant 3 : index
    %get3A_339 = arith.constant 0 : index
    %get3A_340 = arith.constant 0 : index
    %get3A_341 = vector.load %arg1[%get3A_338, %get3A_339, %get3A_340] : memref<8x224x128xf32, #tpu.memory_space<vmem>>, vector<1x224x128xf32>
    %get3A_342 = vector.shape_cast %get3A_341 : vector<1x224x128xf32> to vector<224x128xf32>
    %transpose3A_343 = tpu.transpose %get3A_342, [1, 0] : vector<224x128xf32> -> vector<128x224xf32>
    %slice3A_344 = vector.extract_strided_slice %transpose3A_343 {offsets = [0, 0], sizes = [64, 196], strides = [1, 1]} : vector<128x224xf32> to vector<64x196xf32>
    %get3A_345 = arith.constant 7 : index
    %get3A_346 = arith.constant 0 : index
    %get3A_347 = arith.constant 0 : index
    %get3A_348 = vector.load %arg1[%get3A_345, %get3A_346, %get3A_347] : memref<8x224x128xf32, #tpu.memory_space<vmem>>, vector<1x224x128xf32>
    %get3A_349 = vector.shape_cast %get3A_348 : vector<1x224x128xf32> to vector<224x128xf32>
    %transpose3A_350 = tpu.transpose %get3A_349, [1, 0] : vector<224x128xf32> -> vector<128x224xf32>
    %slice3A_351 = vector.extract_strided_slice %transpose3A_350 {offsets = [0, 0], sizes = [64, 196], strides = [1, 1]} : vector<128x224xf32> to vector<64x196xf32>
    %sub3A_352 = arith.subf %get3A_337, %slice3A_344 : vector<64x196xf32>
    %mul3A_353 = arith.mulf %sub3A_352, %sub3A_352 : vector<64x196xf32>
    %slice3A_354 = vector.extract_strided_slice %mul3A_353 {offsets = [0, 0], sizes = [8, 196], strides = [1, 1]} : vector<64x196xf32> to vector<8x196xf32>
    %slice3A_355 = vector.extract_strided_slice %mul3A_353 {offsets = [8, 0], sizes = [8, 196], strides = [1, 1]} : vector<64x196xf32> to vector<8x196xf32>
    %add3A_356 = arith.addf %slice3A_354, %slice3A_355 : vector<8x196xf32>
    %slice3A_357 = vector.extract_strided_slice %mul3A_353 {offsets = [16, 0], sizes = [8, 196], strides = [1, 1]} : vector<64x196xf32> to vector<8x196xf32>
    %add3A_358 = arith.addf %add3A_356, %slice3A_357 : vector<8x196xf32>
    %slice3A_359 = vector.extract_strided_slice %mul3A_353 {offsets = [24, 0], sizes = [8, 196], strides = [1, 1]} : vector<64x196xf32> to vector<8x196xf32>
    %add3A_360 = arith.addf %add3A_358, %slice3A_359 : vector<8x196xf32>
    %slice3A_361 = vector.extract_strided_slice %mul3A_353 {offsets = [32, 0], sizes = [8, 196], strides = [1, 1]} : vector<64x196xf32> to vector<8x196xf32>
    %add3A_362 = arith.addf %add3A_360, %slice3A_361 : vector<8x196xf32>
    %slice3A_363 = vector.extract_strided_slice %mul3A_353 {offsets = [40, 0], sizes = [8, 196], strides = [1, 1]} : vector<64x196xf32> to vector<8x196xf32>
    %add3A_364 = arith.addf %add3A_362, %slice3A_363 : vector<8x196xf32>
    %slice3A_365 = vector.extract_strided_slice %mul3A_353 {offsets = [48, 0], sizes = [8, 196], strides = [1, 1]} : vector<64x196xf32> to vector<8x196xf32>
    %add3A_366 = arith.addf %add3A_364, %slice3A_365 : vector<8x196xf32>
    %slice3A_367 = vector.extract_strided_slice %mul3A_353 {offsets = [56, 0], sizes = [8, 196], strides = [1, 1]} : vector<64x196xf32> to vector<8x196xf32>
    %add3A_368 = arith.addf %add3A_366, %slice3A_367 : vector<8x196xf32>
    %slice3A_369 = vector.extract_strided_slice %add3A_368 {offsets = [0, 0], sizes = [1, 196], strides = [1, 1]} : vector<8x196xf32> to vector<1x196xf32>
    %slice3A_370 = vector.extract_strided_slice %add3A_368 {offsets = [4, 0], sizes = [1, 196], strides = [1, 1]} : vector<8x196xf32> to vector<1x196xf32>
    %add3A_371 = arith.addf %slice3A_369, %slice3A_370 : vector<1x196xf32>
    %slice3A_372 = vector.extract_strided_slice %add3A_368 {offsets = [2, 0], sizes = [1, 196], strides = [1, 1]} : vector<8x196xf32> to vector<1x196xf32>
    %slice3A_373 = vector.extract_strided_slice %add3A_368 {offsets = [6, 0], sizes = [1, 196], strides = [1, 1]} : vector<8x196xf32> to vector<1x196xf32>
    %add3A_374 = arith.addf %slice3A_372, %slice3A_373 : vector<1x196xf32>
    %slice3A_375 = vector.extract_strided_slice %add3A_368 {offsets = [1, 0], sizes = [1, 196], strides = [1, 1]} : vector<8x196xf32> to vector<1x196xf32>
    %slice3A_376 = vector.extract_strided_slice %add3A_368 {offsets = [5, 0], sizes = [1, 196], strides = [1, 1]} : vector<8x196xf32> to vector<1x196xf32>
    %add3A_377 = arith.addf %slice3A_375, %slice3A_376 : vector<1x196xf32>
    %slice3A_378 = vector.extract_strided_slice %add3A_368 {offsets = [3, 0], sizes = [1, 196], strides = [1, 1]} : vector<8x196xf32> to vector<1x196xf32>
    %slice3A_379 = vector.extract_strided_slice %add3A_368 {offsets = [7, 0], sizes = [1, 196], strides = [1, 1]} : vector<8x196xf32> to vector<1x196xf32>
    %add3A_380 = arith.addf %slice3A_378, %slice3A_379 : vector<1x196xf32>
    %add3A_381 = arith.addf %add3A_371, %add3A_374 : vector<1x196xf32>
    %add3A_382 = arith.addf %add3A_377, %add3A_380 : vector<1x196xf32>
    %add3A_383 = arith.addf %add3A_381, %add3A_382 : vector<1x196xf32>
    %sqrt3A_384 = math.sqrt %add3A_383 : vector<1x196xf32>
    %sub3A_385 = arith.subf %get3A_337, %slice3A_351 : vector<64x196xf32>
    %mul3A_386 = arith.mulf %sub3A_385, %sub3A_385 : vector<64x196xf32>
    %slice3A_387 = vector.extract_strided_slice %mul3A_386 {offsets = [0, 0], sizes = [8, 196], strides = [1, 1]} : vector<64x196xf32> to vector<8x196xf32>
    %slice3A_388 = vector.extract_strided_slice %mul3A_386 {offsets = [8, 0], sizes = [8, 196], strides = [1, 1]} : vector<64x196xf32> to vector<8x196xf32>
    %add3A_389 = arith.addf %slice3A_387, %slice3A_388 : vector<8x196xf32>
    %slice3A_390 = vector.extract_strided_slice %mul3A_386 {offsets = [16, 0], sizes = [8, 196], strides = [1, 1]} : vector<64x196xf32> to vector<8x196xf32>
    %add3A_391 = arith.addf %add3A_389, %slice3A_390 : vector<8x196xf32>
    %slice3A_392 = vector.extract_strided_slice %mul3A_386 {offsets = [24, 0], sizes = [8, 196], strides = [1, 1]} : vector<64x196xf32> to vector<8x196xf32>
    %add3A_393 = arith.addf %add3A_391, %slice3A_392 : vector<8x196xf32>
    %slice3A_394 = vector.extract_strided_slice %mul3A_386 {offsets = [32, 0], sizes = [8, 196], strides = [1, 1]} : vector<64x196xf32> to vector<8x196xf32>
    %add3A_395 = arith.addf %add3A_393, %slice3A_394 : vector<8x196xf32>
    %slice3A_396 = vector.extract_strided_slice %mul3A_386 {offsets = [40, 0], sizes = [8, 196], strides = [1, 1]} : vector<64x196xf32> to vector<8x196xf32>
    %add3A_397 = arith.addf %add3A_395, %slice3A_396 : vector<8x196xf32>
    %slice3A_398 = vector.extract_strided_slice %mul3A_386 {offsets = [48, 0], sizes = [8, 196], strides = [1, 1]} : vector<64x196xf32> to vector<8x196xf32>
    %add3A_399 = arith.addf %add3A_397, %slice3A_398 : vector<8x196xf32>
    %slice3A_400 = vector.extract_strided_slice %mul3A_386 {offsets = [56, 0], sizes = [8, 196], strides = [1, 1]} : vector<64x196xf32> to vector<8x196xf32>
    %add3A_401 = arith.addf %add3A_399, %slice3A_400 : vector<8x196xf32>
    %slice3A_402 = vector.extract_strided_slice %add3A_401 {offsets = [0, 0], sizes = [1, 196], strides = [1, 1]} : vector<8x196xf32> to vector<1x196xf32>
    %slice3A_403 = vector.extract_strided_slice %add3A_401 {offsets = [4, 0], sizes = [1, 196], strides = [1, 1]} : vector<8x196xf32> to vector<1x196xf32>
    %add3A_404 = arith.addf %slice3A_402, %slice3A_403 : vector<1x196xf32>
    %slice3A_405 = vector.extract_strided_slice %add3A_401 {offsets = [2, 0], sizes = [1, 196], strides = [1, 1]} : vector<8x196xf32> to vector<1x196xf32>
    %slice3A_406 = vector.extract_strided_slice %add3A_401 {offsets = [6, 0], sizes = [1, 196], strides = [1, 1]} : vector<8x196xf32> to vector<1x196xf32>
    %add3A_407 = arith.addf %slice3A_405, %slice3A_406 : vector<1x196xf32>
    %slice3A_408 = vector.extract_strided_slice %add3A_401 {offsets = [1, 0], sizes = [1, 196], strides = [1, 1]} : vector<8x196xf32> to vector<1x196xf32>
    %slice3A_409 = vector.extract_strided_slice %add3A_401 {offsets = [5, 0], sizes = [1, 196], strides = [1, 1]} : vector<8x196xf32> to vector<1x196xf32>
    %add3A_410 = arith.addf %slice3A_408, %slice3A_409 : vector<1x196xf32>
    %slice3A_411 = vector.extract_strided_slice %add3A_401 {offsets = [3, 0], sizes = [1, 196], strides = [1, 1]} : vector<8x196xf32> to vector<1x196xf32>
    %slice3A_412 = vector.extract_strided_slice %add3A_401 {offsets = [7, 0], sizes = [1, 196], strides = [1, 1]} : vector<8x196xf32> to vector<1x196xf32>
    %add3A_413 = arith.addf %slice3A_411, %slice3A_412 : vector<1x196xf32>
    %add3A_414 = arith.addf %add3A_404, %add3A_407 : vector<1x196xf32>
    %add3A_415 = arith.addf %add3A_410, %add3A_413 : vector<1x196xf32>
    %add3A_416 = arith.addf %add3A_414, %add3A_415 : vector<1x196xf32>
    %sqrt3A_417 = math.sqrt %add3A_416 : vector<1x196xf32>
    %get3A_418 = arith.constant 3 : index
    %get3A_419 = arith.constant 0 : index
    %get3A_420 = vector.load %arg2[%get3A_418, %get3A_419] : memref<4x196xi32, #tpu.memory_space<vmem>>, vector<1x196xi32>
    %get3A_421 = vector.shape_cast %get3A_420 : vector<1x196xi32> to vector<196xi32>
    %broadcast_in_dim3A_422 = vector.shape_cast %get3A_421 : vector<196xi32> to vector<1x196xi32>
    %get3A_423 = arith.constant 3 : index
    %get3A_424 = arith.constant 0 : index
    %get3A_425 = vector.load %arg3[%get3A_423, %get3A_424] : memref<4x196xi32, #tpu.memory_space<vmem>>, vector<1x196xi32>
    %get3A_426 = vector.shape_cast %get3A_425 : vector<1x196xi32> to vector<196xi32>
    %broadcast_in_dim3A_427 = vector.shape_cast %get3A_426 : vector<196xi32> to vector<1x196xi32>
    %lt3A_428 = arith.cmpf olt, %sqrt3A_417, %sqrt3A_384 : vector<1x196xf32>
    %eq3A_429 = arith.cmpf oeq, %sqrt3A_417, %sqrt3A_384 : vector<1x196xf32>
    %lt3A_430 = arith.cmpi slt, %broadcast_in_dim3A_427, %broadcast_in_dim3A_422 : vector<1x196xi32>
    %and3A_431 = arith.andi %eq3A_429, %lt3A_430 : vector<1x196xi1>
    %or3A_432 = arith.ori %lt3A_428, %and3A_431 : vector<1x196xi1>
    %select_n3A_433 = arith.select %or3A_432, %broadcast_in_dim3A_427, %broadcast_in_dim3A_422 : vector<1x196xi1>, vector<1x196xi32>
    %squeeze3A_434 = vector.shape_cast %select_n3A_433 : vector<1x196xi32> to vector<196xi32>
    %swap3A_435 = arith.constant 3 : index
    %swap3A_436 = arith.constant 0 : index
    %swap3A_437 = vector.load %arg5[%swap3A_435, %swap3A_436] : memref<4x196xi32, #tpu.memory_space<vmem>>, vector<1x196xi32>
    %swap3A_438 = vector.shape_cast %swap3A_437 : vector<1x196xi32> to vector<196xi32>
    %swap3A_439 = vector.shape_cast %squeeze3A_434 : vector<196xi32> to vector<1x196xi32>
    tpu.vector_store %arg5[%swap3A_435, %swap3A_436], %swap3A_439 {strides = array<i32>} : memref<4x196xi32, #tpu.memory_space<vmem>>, vector<1x196xi32>,
    %broadcast_in_dim3A_440 = vector.shape_cast %or3A_432 : vector<1x196xi1> to vector<1x196xi1>
    %broadcast_in_dim3A_441 = vector.broadcast %broadcast_in_dim3A_440 : vector<1x196xi1> to vector<64x196xi1>
    %select_n3A_442 = arith.select %broadcast_in_dim3A_441, %slice3A_351, %slice3A_344 : vector<64x196xi1>, vector<64x196xf32>
    %swap3A_443 = arith.constant 3 : index
    %swap3A_444 = arith.constant 0 : index
    %swap3A_445 = arith.constant 0 : index
    %swap3A_446 = vector.load %arg4[%swap3A_443, %swap3A_444, %swap3A_445] : memref<4x64x196xf32, #tpu.memory_space<vmem>>, vector<1x64x196xf32>
    %swap3A_447 = vector.shape_cast %swap3A_446 : vector<1x64x196xf32> to vector<64x196xf32>
    %swap3A_448 = vector.shape_cast %select_n3A_442 : vector<64x196xf32> to vector<1x64x196xf32>
    tpu.vector_store %arg4[%swap3A_443, %swap3A_444, %swap3A_445], %swap3A_448 {strides = array<i32>} : memref<4x64x196xf32, #tpu.memory_space<vmem>>, vector<1x64x196xf32>,
    return
  }
}

module attributes {stable_mosaic.version = 14 : i64} {
  func.func @_topk_kernel(%arg0: memref<4x64x196xf32, #tpu.memory_space<vmem>>, %arg1: memref<64x1024xf32, #tpu.memory_space<vmem>>, %arg2: memref<4x196xi32, #tpu.memory_space<vmem>>, %arg3: memref<4x196xi32, #tpu.memory_space<vmem>>) attributes {dimension_semantics = [], scalar_prefetch = 0 : i64, scratch_operands = 0 : i64, tpu.core_type = #tpu.core_type<tc>} {
    %get3A = arith.constant 0 : index
    %get3A_0 = arith.constant 0 : index
    %get3A_1 = vector.load %arg1[%get3A, %get3A_0] : memref<64x1024xf32, #tpu.memory_space<vmem>>, vector<64x1024xf32>
    %mul3A = arith.mulf %get3A_1, %get3A_1 : vector<64x1024xf32>
    %reduce_sum3A = arith.constant dense<0.000000e+00> : vector<1024xf32>
    %reduce_sum3A_2 = vector.multi_reduction <add>, %mul3A, %reduce_sum3A [0] : vector<64x1024xf32> to vector<1024xf32>
    %broadcast_in_dim3A = vector.shape_cast %reduce_sum3A_2 : vector<1024xf32> to vector<1x1024xf32>
    %get3A_3 = arith.constant 0 : index
    %get3A_4 = arith.constant 0 : index
    %get3A_5 = arith.constant 0 : index
    %get3A_6 = vector.load %arg0[%get3A_3, %get3A_4, %get3A_5] : memref<4x64x196xf32, #tpu.memory_space<vmem>>, vector<1x64x196xf32>
    %get3A_7 = vector.shape_cast %get3A_6 : vector<1x64x196xf32> to vector<64x196xf32>
    %dot_general3A = arith.constant dense<0.000000e+00> : vector<196x1024xf32>
    %dot_general3A_8 = tpu.matmul %get3A_7, %get3A_1, %dot_general3A {dimension_numbers = #tpu.dot_dimension_numbers<[0], [0], [1], [1], [0, 1, 1, 1], [], []>, precision = #tpu.contract_precision<fp32>, transpose_lhs_hint = false} : vector<64x196xf32>, vector<64x1024xf32>, vector<196x1024xf32> -> vector<196x1024xf32>
    %mul3A_9 = arith.constant 2.000000e+00 : f32
    %mul3A_10 = vector.broadcast %mul3A_9 : f32 to vector<196x1024xf32>
    %mul3A_11 = arith.mulf %mul3A_10, %dot_general3A_8 : vector<196x1024xf32>
    %sub3A = vector.broadcast %broadcast_in_dim3A : vector<1x1024xf32> to vector<196x1024xf32>
    %sub3A_12 = arith.subf %sub3A, %mul3A_11 : vector<196x1024xf32>
    %iota3A = tpu.iota {dimensions = array<i32: 1>} : vector<196x1024xi32>
    %argmin3A = tpu.reduce_index %sub3A_12 {axis = 1 : i32, kind = #tpu.reduction_kind<arg_min>} : vector<196x1024xf32> -> vector<196xi32>
    %broadcast_in_dim3A_13 = vector.shape_cast %argmin3A : vector<196xi32> to vector<196x1xi32>
    %eq3A = vector.broadcast %broadcast_in_dim3A_13 : vector<196x1xi32> to vector<196x1024xi32>
    %eq3A_14 = arith.cmpi eq, %iota3A, %eq3A : vector<196x1024xi32>
    %jit3A = arith.constant 0x7F800000 : f32
    %broadcast_in_dim3A_15 = vector.broadcast %jit3A : f32 to vector<196x1024xf32>
    %select_n3A = arith.select %eq3A_14, %broadcast_in_dim3A_15, %sub3A_12 : vector<196x1024xi1>, vector<196x1024xf32>
    %argmin3A_16 = tpu.reduce_index %select_n3A {axis = 1 : i32, kind = #tpu.reduction_kind<arg_min>} : vector<196x1024xf32> -> vector<196xi32>
    %swap3A = arith.constant 0 : index
    %swap3A_17 = arith.constant 0 : index
    %swap3A_18 = vector.load %arg2[%swap3A, %swap3A_17] : memref<4x196xi32, #tpu.memory_space<vmem>>, vector<1x196xi32>
    %swap3A_19 = vector.shape_cast %swap3A_18 : vector<1x196xi32> to vector<196xi32>
    %swap3A_20 = vector.shape_cast %argmin3A : vector<196xi32> to vector<1x196xi32>
    tpu.vector_store %arg2[%swap3A, %swap3A_17], %swap3A_20 {strides = array<i32>} : memref<4x196xi32, #tpu.memory_space<vmem>>, vector<1x196xi32>,
    %swap3A_21 = arith.constant 0 : index
    %swap3A_22 = arith.constant 0 : index
    %swap3A_23 = vector.load %arg3[%swap3A_21, %swap3A_22] : memref<4x196xi32, #tpu.memory_space<vmem>>, vector<1x196xi32>
    %swap3A_24 = vector.shape_cast %swap3A_23 : vector<1x196xi32> to vector<196xi32>
    %swap3A_25 = vector.shape_cast %argmin3A_16 : vector<196xi32> to vector<1x196xi32>
    tpu.vector_store %arg3[%swap3A_21, %swap3A_22], %swap3A_25 {strides = array<i32>} : memref<4x196xi32, #tpu.memory_space<vmem>>, vector<1x196xi32>,
    %get3A_26 = arith.constant 1 : index
    %get3A_27 = arith.constant 0 : index
    %get3A_28 = arith.constant 0 : index
    %get3A_29 = vector.load %arg0[%get3A_26, %get3A_27, %get3A_28] : memref<4x64x196xf32, #tpu.memory_space<vmem>>, vector<1x64x196xf32>
    %get3A_30 = vector.shape_cast %get3A_29 : vector<1x64x196xf32> to vector<64x196xf32>
    %dot_general3A_31 = arith.constant dense<0.000000e+00> : vector<196x1024xf32>
    %dot_general3A_32 = tpu.matmul %get3A_30, %get3A_1, %dot_general3A_31 {dimension_numbers = #tpu.dot_dimension_numbers<[0], [0], [1], [1], [0, 1, 1, 1], [], []>, precision = #tpu.contract_precision<fp32>, transpose_lhs_hint = false} : vector<64x196xf32>, vector<64x1024xf32>, vector<196x1024xf32> -> vector<196x1024xf32>
    %mul3A_33 = arith.constant 2.000000e+00 : f32
    %mul3A_34 = vector.broadcast %mul3A_33 : f32 to vector<196x1024xf32>
    %mul3A_35 = arith.mulf %mul3A_34, %dot_general3A_32 : vector<196x1024xf32>
    %sub3A_36 = vector.broadcast %broadcast_in_dim3A : vector<1x1024xf32> to vector<196x1024xf32>
    %sub3A_37 = arith.subf %sub3A_36, %mul3A_35 : vector<196x1024xf32>
    %iota3A_38 = tpu.iota {dimensions = array<i32: 1>} : vector<196x1024xi32>
    %argmin3A_39 = tpu.reduce_index %sub3A_37 {axis = 1 : i32, kind = #tpu.reduction_kind<arg_min>} : vector<196x1024xf32> -> vector<196xi32>
    %broadcast_in_dim3A_40 = vector.shape_cast %argmin3A_39 : vector<196xi32> to vector<196x1xi32>
    %eq3A_41 = vector.broadcast %broadcast_in_dim3A_40 : vector<196x1xi32> to vector<196x1024xi32>
    %eq3A_42 = arith.cmpi eq, %iota3A_38, %eq3A_41 : vector<196x1024xi32>
    %jit3A_43 = arith.constant 0x7F800000 : f32
    %broadcast_in_dim3A_44 = vector.broadcast %jit3A_43 : f32 to vector<196x1024xf32>
    %select_n3A_45 = arith.select %eq3A_42, %broadcast_in_dim3A_44, %sub3A_37 : vector<196x1024xi1>, vector<196x1024xf32>
    %argmin3A_46 = tpu.reduce_index %select_n3A_45 {axis = 1 : i32, kind = #tpu.reduction_kind<arg_min>} : vector<196x1024xf32> -> vector<196xi32>
    %swap3A_47 = arith.constant 1 : index
    %swap3A_48 = arith.constant 0 : index
    %swap3A_49 = vector.load %arg2[%swap3A_47, %swap3A_48] : memref<4x196xi32, #tpu.memory_space<vmem>>, vector<1x196xi32>
    %swap3A_50 = vector.shape_cast %swap3A_49 : vector<1x196xi32> to vector<196xi32>
    %swap3A_51 = vector.shape_cast %argmin3A_39 : vector<196xi32> to vector<1x196xi32>
    tpu.vector_store %arg2[%swap3A_47, %swap3A_48], %swap3A_51 {strides = array<i32>} : memref<4x196xi32, #tpu.memory_space<vmem>>, vector<1x196xi32>,
    %swap3A_52 = arith.constant 1 : index
    %swap3A_53 = arith.constant 0 : index
    %swap3A_54 = vector.load %arg3[%swap3A_52, %swap3A_53] : memref<4x196xi32, #tpu.memory_space<vmem>>, vector<1x196xi32>
    %swap3A_55 = vector.shape_cast %swap3A_54 : vector<1x196xi32> to vector<196xi32>
    %swap3A_56 = vector.shape_cast %argmin3A_46 : vector<196xi32> to vector<1x196xi32>
    tpu.vector_store %arg3[%swap3A_52, %swap3A_53], %swap3A_56 {strides = array<i32>} : memref<4x196xi32, #tpu.memory_space<vmem>>, vector<1x196xi32>,
    %get3A_57 = arith.constant 2 : index
    %get3A_58 = arith.constant 0 : index
    %get3A_59 = arith.constant 0 : index
    %get3A_60 = vector.load %arg0[%get3A_57, %get3A_58, %get3A_59] : memref<4x64x196xf32, #tpu.memory_space<vmem>>, vector<1x64x196xf32>
    %get3A_61 = vector.shape_cast %get3A_60 : vector<1x64x196xf32> to vector<64x196xf32>
    %dot_general3A_62 = arith.constant dense<0.000000e+00> : vector<196x1024xf32>
    %dot_general3A_63 = tpu.matmul %get3A_61, %get3A_1, %dot_general3A_62 {dimension_numbers = #tpu.dot_dimension_numbers<[0], [0], [1], [1], [0, 1, 1, 1], [], []>, precision = #tpu.contract_precision<fp32>, transpose_lhs_hint = false} : vector<64x196xf32>, vector<64x1024xf32>, vector<196x1024xf32> -> vector<196x1024xf32>
    %mul3A_64 = arith.constant 2.000000e+00 : f32
    %mul3A_65 = vector.broadcast %mul3A_64 : f32 to vector<196x1024xf32>
    %mul3A_66 = arith.mulf %mul3A_65, %dot_general3A_63 : vector<196x1024xf32>
    %sub3A_67 = vector.broadcast %broadcast_in_dim3A : vector<1x1024xf32> to vector<196x1024xf32>
    %sub3A_68 = arith.subf %sub3A_67, %mul3A_66 : vector<196x1024xf32>
    %iota3A_69 = tpu.iota {dimensions = array<i32: 1>} : vector<196x1024xi32>
    %argmin3A_70 = tpu.reduce_index %sub3A_68 {axis = 1 : i32, kind = #tpu.reduction_kind<arg_min>} : vector<196x1024xf32> -> vector<196xi32>
    %broadcast_in_dim3A_71 = vector.shape_cast %argmin3A_70 : vector<196xi32> to vector<196x1xi32>
    %eq3A_72 = vector.broadcast %broadcast_in_dim3A_71 : vector<196x1xi32> to vector<196x1024xi32>
    %eq3A_73 = arith.cmpi eq, %iota3A_69, %eq3A_72 : vector<196x1024xi32>
    %jit3A_74 = arith.constant 0x7F800000 : f32
    %broadcast_in_dim3A_75 = vector.broadcast %jit3A_74 : f32 to vector<196x1024xf32>
    %select_n3A_76 = arith.select %eq3A_73, %broadcast_in_dim3A_75, %sub3A_68 : vector<196x1024xi1>, vector<196x1024xf32>
    %argmin3A_77 = tpu.reduce_index %select_n3A_76 {axis = 1 : i32, kind = #tpu.reduction_kind<arg_min>} : vector<196x1024xf32> -> vector<196xi32>
    %swap3A_78 = arith.constant 2 : index
    %swap3A_79 = arith.constant 0 : index
    %swap3A_80 = vector.load %arg2[%swap3A_78, %swap3A_79] : memref<4x196xi32, #tpu.memory_space<vmem>>, vector<1x196xi32>
    %swap3A_81 = vector.shape_cast %swap3A_80 : vector<1x196xi32> to vector<196xi32>
    %swap3A_82 = vector.shape_cast %argmin3A_70 : vector<196xi32> to vector<1x196xi32>
    tpu.vector_store %arg2[%swap3A_78, %swap3A_79], %swap3A_82 {strides = array<i32>} : memref<4x196xi32, #tpu.memory_space<vmem>>, vector<1x196xi32>,
    %swap3A_83 = arith.constant 2 : index
    %swap3A_84 = arith.constant 0 : index
    %swap3A_85 = vector.load %arg3[%swap3A_83, %swap3A_84] : memref<4x196xi32, #tpu.memory_space<vmem>>, vector<1x196xi32>
    %swap3A_86 = vector.shape_cast %swap3A_85 : vector<1x196xi32> to vector<196xi32>
    %swap3A_87 = vector.shape_cast %argmin3A_77 : vector<196xi32> to vector<1x196xi32>
    tpu.vector_store %arg3[%swap3A_83, %swap3A_84], %swap3A_87 {strides = array<i32>} : memref<4x196xi32, #tpu.memory_space<vmem>>, vector<1x196xi32>,
    %get3A_88 = arith.constant 3 : index
    %get3A_89 = arith.constant 0 : index
    %get3A_90 = arith.constant 0 : index
    %get3A_91 = vector.load %arg0[%get3A_88, %get3A_89, %get3A_90] : memref<4x64x196xf32, #tpu.memory_space<vmem>>, vector<1x64x196xf32>
    %get3A_92 = vector.shape_cast %get3A_91 : vector<1x64x196xf32> to vector<64x196xf32>
    %dot_general3A_93 = arith.constant dense<0.000000e+00> : vector<196x1024xf32>
    %dot_general3A_94 = tpu.matmul %get3A_92, %get3A_1, %dot_general3A_93 {dimension_numbers = #tpu.dot_dimension_numbers<[0], [0], [1], [1], [0, 1, 1, 1], [], []>, precision = #tpu.contract_precision<fp32>, transpose_lhs_hint = false} : vector<64x196xf32>, vector<64x1024xf32>, vector<196x1024xf32> -> vector<196x1024xf32>
    %mul3A_95 = arith.constant 2.000000e+00 : f32
    %mul3A_96 = vector.broadcast %mul3A_95 : f32 to vector<196x1024xf32>
    %mul3A_97 = arith.mulf %mul3A_96, %dot_general3A_94 : vector<196x1024xf32>
    %sub3A_98 = vector.broadcast %broadcast_in_dim3A : vector<1x1024xf32> to vector<196x1024xf32>
    %sub3A_99 = arith.subf %sub3A_98, %mul3A_97 : vector<196x1024xf32>
    %iota3A_100 = tpu.iota {dimensions = array<i32: 1>} : vector<196x1024xi32>
    %argmin3A_101 = tpu.reduce_index %sub3A_99 {axis = 1 : i32, kind = #tpu.reduction_kind<arg_min>} : vector<196x1024xf32> -> vector<196xi32>
    %broadcast_in_dim3A_102 = vector.shape_cast %argmin3A_101 : vector<196xi32> to vector<196x1xi32>
    %eq3A_103 = vector.broadcast %broadcast_in_dim3A_102 : vector<196x1xi32> to vector<196x1024xi32>
    %eq3A_104 = arith.cmpi eq, %iota3A_100, %eq3A_103 : vector<196x1024xi32>
    %jit3A_105 = arith.constant 0x7F800000 : f32
    %broadcast_in_dim3A_106 = vector.broadcast %jit3A_105 : f32 to vector<196x1024xf32>
    %select_n3A_107 = arith.select %eq3A_104, %broadcast_in_dim3A_106, %sub3A_99 : vector<196x1024xi1>, vector<196x1024xf32>
    %argmin3A_108 = tpu.reduce_index %select_n3A_107 {axis = 1 : i32, kind = #tpu.reduction_kind<arg_min>} : vector<196x1024xf32> -> vector<196xi32>
    %swap3A_109 = arith.constant 3 : index
    %swap3A_110 = arith.constant 0 : index
    %swap3A_111 = vector.load %arg2[%swap3A_109, %swap3A_110] : memref<4x196xi32, #tpu.memory_space<vmem>>, vector<1x196xi32>
    %swap3A_112 = vector.shape_cast %swap3A_111 : vector<1x196xi32> to vector<196xi32>
    %swap3A_113 = vector.shape_cast %argmin3A_101 : vector<196xi32> to vector<1x196xi32>
    tpu.vector_store %arg2[%swap3A_109, %swap3A_110], %swap3A_113 {strides = array<i32>} : memref<4x196xi32, #tpu.memory_space<vmem>>, vector<1x196xi32>,
    %swap3A_114 = arith.constant 3 : index
    %swap3A_115 = arith.constant 0 : index
    %swap3A_116 = vector.load %arg3[%swap3A_114, %swap3A_115] : memref<4x196xi32, #tpu.memory_space<vmem>>, vector<1x196xi32>
    %swap3A_117 = vector.shape_cast %swap3A_116 : vector<1x196xi32> to vector<196xi32>
    %swap3A_118 = vector.shape_cast %argmin3A_108 : vector<196xi32> to vector<1x196xi32>
    tpu.vector_store %arg3[%swap3A_114, %swap3A_115], %swap3A_118 {strides = array<i32>} : memref<4x196xi32, #tpu.memory_space<vmem>>, vector<1x196xi32>,
    return
  }
}

</mosaic_0001>

<sc_bundles>
// kernel: kernel.5.cloned.1.call-start
scs
__scs_entry_jumppad:
0x0: {  	(pc) =	sbr.rel $0x88, $3  }
0x1: {  	(tag) =	ssettag $0x0;
	lr =	simm.s32 $0x1  }
0x2: {  	[smem:$0x3F9F] =	sst lr;
	_ =	strace $0xD0000000  }
0x3: {  	_ = 	snop  }
0x4: {  	_ = 	snop  }
0x5: {  	_ = 	snop  }
0x6: {  	_ = 	snop  }
0x7: {  	_ = 	snop  }
__scs_overlays_trampoline_lowered:
0x8: {  	[smem:$0x3FAE] =	sst s0  }
0x9: {  	[smem:$0x3FAF] =	sst s1  }
0xa: {  	[smem:$0x3FB0] =	sst s2  }
0xb: {  	[smem:$0x3FB1] =	sst s3  }
0xc: {  	[smem:$0x3FB2] =	sst s4  }
0xd: {  	[smem:$0x3FB3] =	sst s5  }
0xe: {  	[smem:$0x3FB4] =	sst s6  }
0xf: {  	[smem:$0x3FB5] =	sst s7  }
0x10: {  	[smem:$0x3FB6] =	sst s8  }
0x11: {  	[smem:$0x3FB7] =	sst s9;
	s0 =	simm.s32 @!p0 $0x0  }
0x12: {  	s1 =	sld [smem:$0x3F9D];
	s0 =	simm.s32 @p0 $0x1  }
0x13: {  	[smem:$0x3FB8] =	sst s0;
	s0 =	simm.s32 @!p1 $0x0  }
0x14: {  	s2 =	sld [smem:$0x3F9C];
	s0 =	simm.s32 @p1 $0x1  }
0x15: {  	[smem:$0x3FB9] =	sst s0;
	s0 =	simm.s32 @!p2 $0x0  }
0x16: {  	s3 =	sld [smem:$0x3FDB];
	s0 =	simm.s32 @p2 $0x1  }
0x17: {  	s4 =	simm.s32 $0x1BF5;
	[smem:$0x3FBB] =	sst s0  }
0x18: {  	s0 =	sld [smem:$0x3F9E];
	_ =	swait.ge [sflag:s4], $0x0  }
0x19: {  	s7 =	sld [smem:$0x3F9F]  }
0x1a: {  	s8 =	sadd.s32 $0xFFFFE003, lr  }
0x1b: {  	s9 =	sadd.s32 $0xFFFFFEF7, lr;
	s5 =	simm.s32 $0xFFFFFFFF;
	p2 =	slt.u32 s8, $0xFFFFF086  }
0x1c: {  	p1 =	slt.u32 s9, $0xF7A;
	s5 =	simm.s32 @!p2 $0x0  }
0x1d: {  	s5 =	simm.s32 @p1 $0x1;
	p0 =	seq.s32 s7, s2  }
0x1e: {  	s7 =	smul.u32 @!p0 $0xF7A, s2;
	p2 =	seq.s32 @!p0 s5, $0x0  }
0x1f: {  	s9 =	smul.u32 $0xF7A, s1;
	s8 =	simm.s32 @!p0 $0x1BF5;
	p2 =	por !p2, p0  }
0x20: {  	[sflag:s8] =	ssyncset.s32 @!p0 $0xFFFFF086;
	s6 =	sadd.s32 @!p0 s3, s7;
	s7 =	simm.s32 @!p0 $0x108  }
0x21: {  	s3 =	sadd.s32 s3, s9;
	s6 =	sadd.s32 @!p0 $0x88, s6;
	s7 =	simm.s32 @p2 $0x1082  }
0x22: {  	[simem:s7], [sflag:s8] =	dma.local @!p0 [hbm:s6], $0xF7A  }
0x23: {  	s9 =	sor.u32 $0xD0000000, s2;
	s6 =	simm.s32 $0x108;
	_ =	swait.ge @!p0 [sflag:s8], $0x0  }
0x24: {  	s3 =	sadd.s32 $0x88, s3;
	s6 =	simm.s32 @!p1 $0x1082;
	[sflag:s4] =	ssyncset.s32 $0xFFFFF086  }
0x25: {  	[simem:s6], [sflag:s4] =	dma.local [hbm:s3], $0xF7A  }
0x26: {  	[smem:$0x3F9F] =	sst s1;
	(tag) =	ssettag s2;
	_ =	strace s9  }
0x27: {  	s1 =	sld [smem:$0x3FAF]  }
0x28: {  	s2 =	sld [smem:$0x3FB0]  }
0x29: {  	s4 =	sld [smem:$0x3FB2]  }
0x2a: {  	p0 =	seq.s32 s5, $0x0;
	s5 =	sld [smem:$0x3FB3]  }
0x2b: {  	s6 =	sld [smem:$0x3FB4]  }
0x2c: {  	s7 =	sld [smem:$0x3FB5]  }
0x2d: {  	s3 =	simm.s32 $0x108;
	s8 =	sld [smem:$0x3FB6]  }
0x2e: {  	s3 =	simm.s32 @!p0 $0x1082;
	s9 =	sld [smem:$0x3FB7]  }
0x2f: {  	lr =	sadd.s32 s0, s3;
	s0 =	sld [smem:$0x3FAE]  }
0x30: {  	s3 =	sld [smem:$0x3FB1]  }
0x31: {  	[smem:$0x3FBA] =	sst s10  }
0x32: {  	s10 =	sld [smem:$0x3FB8];
	_ =	sdelay $0x3  }
0x33: {  	p0 =	seq.s32 s10, $0x1;
	s10 =	sld [smem:$0x3FBA];
	_ =	sdelay $0x3  }
0x34: {  	[smem:$0x3FBA] =	sst s10  }
0x35: {  	s10 =	sld [smem:$0x3FB9];
	_ =	sdelay $0x3  }
0x36: {  	p1 =	seq.s32 s10, $0x1;
	s10 =	sld [smem:$0x3FBA];
	_ =	sdelay $0x3  }
0x37: {  	[smem:$0x3FBA] =	sst s10  }
0x38: {  	s10 =	sld [smem:$0x3FBB]  }
0x39: {  	_ = 	snop;
	(pc) =	sbr.ind lr, $3  }
0x3a: {  	_ = 	snop  }
0x3b: {  	_ = 	snop  }
0x3c: {  	p2 =	seq.s32 s10, $0x1;
	s10 =	sld [smem:$0x3FBA]  }
0x3d: {  	_ =	shalt  }
0x3e: {  	_ =	shalt  }
0x3f: {  	_ =	shalt  }
0x40: {  	_ =	shalt  }
0x41: {  	_ =	shalt  }
0x42: {  	_ =	shalt  }
0x43: {  	_ =	shalt  }
0x44: {  	_ =	shalt  }
0x45: {  	_ =	shalt  }
0x46: {  	_ =	shalt  }
0x47: {  	_ =	shalt  }
0x48: {  	_ =	shalt  }
0x49: {  	_ =	shalt  }
0x4a: {  	_ =	shalt  }
0x4b: {  	_ =	shalt  }
0x4c: {  	_ =	shalt  }
0x4d: {  	_ =	shalt  }
0x4e: {  	_ =	shalt  }
0x4f: {  	_ =	shalt  }
0x50: {  	_ =	shalt  }
0x51: {  	_ =	shalt  }
0x52: {  	_ =	shalt  }
0x53: {  	_ =	shalt  }
0x54: {  	_ =	shalt  }
0x55: {  	_ =	shalt  }
0x56: {  	_ =	shalt  }
0x57: {  	_ =	shalt  }
0x58: {  	_ =	shalt  }
0x59: {  	_ =	shalt  }
0x5a: {  	_ =	shalt  }
0x5b: {  	_ =	shalt  }
0x5c: {  	_ =	shalt  }
0x5d: {  	_ =	shalt  }
0x5e: {  	_ =	shalt  }
0x5f: {  	_ =	shalt  }
0x60: {  	_ =	shalt  }
0x61: {  	_ =	shalt  }
0x62: {  	_ =	shalt  }
0x63: {  	_ =	shalt  }
0x64: {  	_ =	shalt  }
0x65: {  	_ =	shalt  }
0x66: {  	_ =	shalt  }
0x67: {  	_ =	shalt  }
0x68: {  	_ =	shalt  }
0x69: {  	_ =	shalt  }
0x6a: {  	_ =	shalt  }
0x6b: {  	_ =	shalt  }
0x6c: {  	_ =	shalt  }
0x6d: {  	_ =	shalt  }
0x6e: {  	_ =	shalt  }
0x6f: {  	_ =	shalt  }
0x70: {  	_ =	shalt  }
0x71: {  	_ =	shalt  }
0x72: {  	_ =	shalt  }
0x73: {  	_ =	shalt  }
0x74: {  	_ =	shalt  }
0x75: {  	_ =	shalt  }
0x76: {  	_ =	shalt  }
0x77: {  	_ =	shalt  }
0x78: {  	_ =	shalt  }
0x79: {  	_ =	shalt  }
0x7a: {  	_ =	shalt  }
0x7b: {  	_ =	shalt  }
0x7c: {  	_ =	shalt  }
0x7d: {  	_ =	shalt  }
0x7e: {  	_ =	shalt  }
0x7f: {  	_ =	shalt  }
0x80: {  	_ =	shalt  }
0x81: {  	_ =	shalt  }
0x82: {  	_ =	shalt  }
0x83: {  	_ =	shalt  }
0x84: {  	_ =	shalt  }
0x85: {  	_ =	shalt  }
0x86: {  	_ =	shalt  }
0x87: {  	_ =	shalt  }
.Lfunc_end0:
.L_simem_size_0:
called_computation_lowered:
.L_overlay_start_0:
0x88: {  	s2 =	sld [smem:$0x3FD9]  }
0x89: {  	s3 =	sld [smem:$0x3FFE];
	_ =	sdelay $0x1  }
0x8a: {  	s1 =	srdreg.scid  }
0x8b: {  	s0 =	sand.u32 $0x1, s1  }
0x8c: {  	s14 =	sshll.u32 s0, $0xA;
	s2 =	sadd.s32 s3, s2  }
0x8d: {  	s2 =	sadd.s32 s2, s14  }
0x8e: {  	[smem:$0x3FC6] =	sst s2  }
0x8f: {  	_ = 	snop  }
0x90: {  	s2 =	sld [smem:$0x3FD0];
	_ =	sdelay $0x2  }
0x91: {  	s15 =	simm.s32 $0xA;
	s4 =	simm.s32 $0x10  }
0x92: {  	[smem:s4], [sflag:s15] =	dma.local [hbm:s2], $0x1  }
0x93: {  	_ =	swait.eq [sflag:s15], $0x1  }
0x94: {  	[sflag:s15] =	ssyncset.done $0x0  }
0x95: {  	[sflag:s15] =	ssyncadd.s32 $0xFFFFFFFF  }
0x96: {  	s16 =	sld [smem:$0x10];
	(tm) =	ssettm $0x1  }
0x97: {  	s17 =	sld [smem:$0x3FFB];
	_ =	sdelay $0x3  }
0x98: {  	_ =	strace s17  }
0x99: {  	s3 =	sld [smem:$0x3FFC];
	_ =	sdelay $0x3  }
0x9a: {  	_ =	strace s3  }
0x9b: {  	s3 =	sld [smem:$0x3FFD];
	_ =	sdelay $0x3  }
0x9c: {  	_ =	strace s3  }
0x9d: {  	_ =	strace $0x8FFFFFFF  }
0x9e: {  	s18 =	sld [smem:$0x3FDB];
	_ =	sdelay $0x1  }
0x9f: {  	s19 =	simm.s32 $_scs_section_size  }
0xa0: {  	s5 =	simm.s32 $_size__tile_overlayer_lowered;
	s6 =	simm.s32 $_tile_overlayer_lowered  }
0xa1: {  	s22 =	simm.s32 $0x1BFF;
	s21 =	sshll.u32 s6, $0x1;
	s3 =	sadd.s32 s19, s18  }
0xa2: {  	s7 =	simm.s32 $0x0;
	s20 =	sshll.u32 s5, $0x1;
	s5 =	sadd.s32 s21, s3  }
0xa3: {  	[timem:s7], [sflag:s22] =	dma.local [hbm:s5], s20  }
0xa4: {  	_ =	swait.ge [sflag:s22], s20  }
0xa5: {  	s4 =	ssub.s32 $0x0, s20;
	[sflag:s22] =	ssyncset.done $0x0  }
0xa6: {  	[sflag:s22] =	ssyncadd.s32 s4;
	_ =	sdelay $0x1  }
0xa7: {  	s23 =	simm.s32 $0x1B8B  }
0xa8: {  	_ =	swait.ge [sflag:s23], $0x1  }
0xa9: {  	[sflag:s23] =	ssyncset.done $0x0  }
0xaa: {  	s25 =	simm.s32 $0x1B8E;
	s24 =	sld [smem:$0x3FFE];
	[sflag:s23] =	ssyncadd.s32 $0xFFFFFFFF  }
0xab: {  	s26 =	simm.s32 $execute0_lowered;
	[smem:$0x3FD2] =	sst s25  }
0xac: {  	s5 =	sshll.u32 s26, $0x1;
	_ =	strace $0x80000046;
	[dreg:$0x1] =	wrdreg $0xFFFFFFFF  }
0xad: {  	s28 =	simm.s32 $_size_execute0_lowered;
	s3 =	sadd.s32 s3, s5;
	[dreg:$0x0] =	wrdreg $0x0  }
0xae: {  	s5 =	sshll.u32 s28, $0x1;
	[dreg:$0x2] =	wrdreg s3  }
0xaf: {  	[dreg:$0x3] =	wrdreg s5  }
0xb0: {  	[dreg:$0x4] =	wrdreg $0xC0  }
0xb1: {  	_ =	task [dreg:s7], $0x5FFFF  }
0xb2: {  	[dreg:$0x1] =	wrdreg $0xFFFFFFFF  }
0xb3: {  	[dreg:$0x0] =	wrdreg $0x60  }
0xb4: {  	[dreg:$0x2] =	wrdreg s24  }
0xb5: {  	[dreg:$0x3] =	wrdreg s16  }
0xb6: {  	[dreg:$0x4] =	wrdreg $0x9  }
0xb7: {  	_ =	task.clear_ibuf [dreg:s7], $0x5FFFF;
	_ =	strace $0x90000046  }
0xb8: {  	s29 =	simm.s32 $0x9;
	_ =	strace $0x80000048  }
0xb9: {  	_ =	swait.ge [sflag:s29], $0x1  }
0xba: {  	[sflag:s29] =	ssyncadd.s32 $0xFFFFFFFF  }
0xbb: {  	_ =	strace $0x90000048  }
0xbc: {  	_ =	sfence  }
0xbd: {  	s30 =	sld [smem:$0x0];
	_ =	sdelay $0x2  }
0xbe: {  	s31 =	sshll.u32 s1, $0xD;
	s1 =	sshrl.u32 s1, $0x2  }
0xbf: {  	s3 =	sand.u32 $0x4000, s31;
	s1 =	sadd.s32 s1, s30  }
0xc0: {  	s0 =	sor.u32 s3, s0;
	s1 =	sshll.u32 s1, $0x11  }
0xc1: {  	s0 =	sor.u32 s1, s0  }
0xc2: {  	s0 =	sadd.s32 $0x8F2B, s0  }
0xc3: {  	[sflag:s0] =	ssyncadd.remote.s32 $0x1  }
0xc4: {  	_ =	sfence.sel $0xFFFF  }
0xc5: {  	[dreg:$0x0] =	wrdreg $0xFFFFFFFF;
	(pc) =	sbr.abs _section_cstart, $3  }
0xc6: {  	[dreg:$0x1] =	wrdreg $0xFFFFFFFF  }
0xc7: {  	_ =	task.clear_ibuf [dreg:s7], $0x2FFFF;
	_ =	strace $0x9FFFFFFF  }
0xc8: {  	(tm) =	ssettm $0x7FFFFFFF  }
0xc9: {  	_ =	shalt  }
tec
execute0_lowered:
.L_overlay_start_1:
0x0: {  	(tag) =	ssettag $0x1  }
0x1: {  	s1 =	srdreg.scid  }
0x2: {  	s0 =	stileid.u32;
	s9 =	rddreg [dreg:$0x0]  }
0x3: {  	s3 =	rddreg [dreg:$0x1];
	s6 =	sand.u32 $0x1, s1;
	s30 =	sshll.u32 s0, $0x1  }
0x4: {  	s2 =	simm.s32 $0x0;
	s1 =	rddreg [dreg:$0x2];
	s7 =	sor.u32 s6, s30  }
0x5: {  	s8 =	simm.s32 $0x1;
	[smem:$0x7FF] =	sst s2;
	s4 =	smul.u32 $0x7, s7  }
0x6: {  	s5 =	sadd.s32 $0x800, s9;
	_ =	strace $0x80000047;
	s11 =	ssub.s32 $0x2, s6  }
0x7: {  	s6 =	simm.s32 $0x38;
	s4 =	sadd.s32 s3, s4;
	s3 =	simm.s32 $0x2  }
0x8: {  	[tilespmem:s2], [sflag:$0x2] =	stream.linear.gather [hbm4b:s4+s2], $0x38, $0x38;
	[tilespmem:$0x1C80] =	vst v63  }
0x9: {  	s10 =	smul.u32 $0x380, s7;
	s12 =	sshrl.u32 s11, $0x1;
	_ =	swait.ge [sflag:s3], $0x38  }
0xa: {  	s7 =	simm.s32 $0x80;
	s31 =	ssub.s32 s11, s12;
	[sflag:s3] =	ssyncset.done $0x0  }
0xb: {  	s9 =	sadd.s32 s10, s9;
	s10 =	smax.u32 s31, $0x1;
	[sflag:s3] =	ssyncadd.s32 $0xFFFFFFC8  }
0xc: {  	[tilespmem:s7], [sflag:$0x1] =	stream.indirect.gather [hbm4b:s5+s6], $0x80, s2, s6, $0xb8;
	[tilespmem:$0x1C80] =	vst v63  }
0xd: {  	p0 =	sne.s32 s10, $0x1;
	_ =	swait.ge [sflag:s8], $0x1C00  }
.Ltmp0:
0xe: {  	[sflag:s8] =	ssyncset.done $0x0;
	(pc) =	sbr.rel @!p0 .LBB2_2-.Ltmp0, $4  }
0xf: {  	s9 =	sadd.s32 $0x4800, s9;
	[sflag:s8] =	ssyncadd.s32 $0xFFFFE400  }
0x10: {  	[hbm4b:s9+s2] =	stream.linear.scatter [tilespmem:s7], [sflag:$0x2], $0x1C00, $0x38;
	[tilespmem:$0x1C80] =	vst v63  }
0x11: {  	_ =	swait.ge [sflag:s3], $0x1C00  }
0x12: {  	s10 =	sadd.s32 $0xFFFFFFFF, s10;
	[sflag:s3] =	ssyncset.done $0x0  }
.LBB2_1:
0x13: {  	p0 =	sne.s32 s10, $0x1;
	s10 =	sadd.s32 $0xFFFFFFFF, s10;
	[sflag:s3] =	ssyncadd.s32 $0xFFFFE400  }
0x14: {  	[tilespmem:s2], [sflag:$0x2] =	stream.linear.gather [hbm4b:s4+s2], $0x38, $0x38;
	[tilespmem:$0x1C80] =	vst v63  }
0x15: {  	_ =	swait.ge [sflag:s3], $0x38  }
0x16: {  	[sflag:s3] =	ssyncset.done $0x0  }
0x17: {  	[sflag:s3] =	ssyncadd.s32 $0xFFFFFFC8  }
0x18: {  	[tilespmem:s7], [sflag:$0x1] =	stream.indirect.gather [hbm4b:s5+s6], $0x80, s2, s6, $0xb8;
	[tilespmem:$0x1C80] =	vst v63  }
0x19: {  	_ =	swait.ge [sflag:s8], $0x1C00  }
.Ltmp1:
0x1a: {  	[sflag:s8] =	ssyncset.done $0x0;
	(pc) =	sbr.rel @p0 .LBB2_1-.Ltmp1, $4  }
0x1b: {  	[sflag:s8] =	ssyncadd.s32 $0xFFFFE400  }
0x1c: {  	[hbm4b:s9+s2] =	stream.linear.scatter [tilespmem:s7], [sflag:$0x2], $0x1C00, $0x38;
	[tilespmem:$0x1C80] =	vst v63  }
0x1d: {  	_ =	swait.ge [sflag:s3], $0x1C00  }
0x1e: {  	[sflag:s3] =	ssyncset.done $0x0  }
.LBB2_2:
0x1f: {  	[sflag:s3] =	ssyncadd.s32 $0xFFFFE400  }
0x20: {  	_ =	sfence.sel $0x180000  }
0x21: {  	[bflag:$0x0] =	sbarrier.arrive $0xFFFF  }
0x22: {  	p0 =	sne.s32 s0, $0x0;
	_ =	strace $0x90000047  }
0x23: {  	s0 =	sadd.s32 @!p0 $0x100000, s1;
	[bflag:$0x2] =	sbarrier.arrive $0xFFFF  }
0x24: {  	[sflag:s0] =	ssyncadd.tile.s32 @!p0 $0x1;
	_ =	shalt  }
.Lfunc_end2:
_tile_overlayer_lowered:
.L_overlay_start_2:
0x25: {  	(tag) =	ssettag $0x2  }
0x26: {  	s0 =	rddreg [dreg:$0x0];
	s2 =	stileid.u32  }
0x27: {  	s1 =	rddreg [dreg:$0x1];
	p0 =	sne.s32 s2, $0x0  }
0x28: {  	s3 =	rddreg [dreg:$0x2];
	[bflag:$0x3] =	sbarrier.arrive $0xFFFF;
	s2 =	simm.s32 @!p0 $0x1C02  }
0x29: {  	[timem:s3], [sflag:s2] =	dma.local @!p0 [hbm:s0], s1  }
0x2a: {  	s0 =	simm.s32 @!p0 $0x2  }
0x2b: {  	_ =	swait.ge @!p0 [sflag:s0], s1  }
0x2c: {  	s1 =	ssub.s32 @!p0 $0x0, s1;
	[sflag:s0] =	ssyncset.done @!p0 $0x0  }
0x2d: {  	[sflag:s0] =	ssyncadd.s32 @!p0 s1  }
0x2e: {  	[bflag:$0x3] =	sbarrier.arrive $0xFFFF  }
0x2f: {  	_ =	shalt  }

</sc_bundles>
